<compile_context>
chip_gen: v7x
topology: tpu7x:2x2x1
jax: 0.10.2.dev20260603
libtpu: 0.0.44.dev20260713+nightly
codegen_flags: <defaults>
</compile_context>

<pallas_src>
import functools

import jax
import jax.numpy as jnp
from jax import lax
from jax.experimental import pallas as pl
from jax.experimental.pallas import tpu as pltpu
from jax.experimental.pallas import tpu_sc as plsc

B, S, H = 4096, 200, 128
NCP, NSB = 8, 3
NM = NCP * NSB
TBL = S * NM
NTOK = B * S
NW = 32
TOK_PER_W = NTOK // NW
CHUNK = 128
NCHUNK = TOK_PER_W // CHUNK
LANES = 16


def _table_body(char_ref, seq_ref, sbnd_ref, table_ref):
    r_c = lax.broadcasted_iota(jnp.int32, (NM, NCP), 0)
    oh_c = (r_c // NSB == lax.broadcasted_iota(jnp.int32, (NM, NCP), 1)).astype(jnp.float32)
    r_k = lax.broadcasted_iota(jnp.int32, (NM, NSB), 0)
    oh_k = (r_k % NSB == lax.broadcasted_iota(jnp.int32, (NM, NSB), 1)).astype(jnp.float32)
    hi = lax.Precision.HIGHEST
    comb = jnp.dot(oh_c, char_ref[...], preferred_element_type=jnp.float32, precision=hi) + jnp.dot(
        oh_k, sbnd_ref[...], preferred_element_type=jnp.float32, precision=hi
    )
    table_ref[...] = seq_ref[...][:, None, :] + comb[None, :, :]


_sc_mesh = plsc.VectorSubcoreMesh(core_axis_name="c", subcore_axis_name="s")


@functools.partial(
    pl.kernel,
    mesh=_sc_mesh,
    out_type=jax.ShapeDtypeStruct((NTOK, H), jnp.float32),
    scratch_types=[
        pltpu.VMEM_SHARED((TBL, H), jnp.float32),
        pltpu.VMEM((TOK_PER_W,), jnp.int32),
        pltpu.VMEM((4, CHUNK), jnp.int32),
        pltpu.VMEM((CHUNK, H), jnp.float32),
        pltpu.VMEM((CHUNK, H), jnp.float32),
        pltpu.SemaphoreType.DMA,
        pltpu.SemaphoreType.DMA,
        pltpu.SemaphoreType.DMA,
    ],
)
def _sc_gather(table_hbm, m24_hbm, out_hbm, table_sp, m24_v, idx_v, buf0, buf1, sem0, sem1, isem0):
    sid = lax.axis_index("s")
    wid = sid * 2 + lax.axis_index("c")
    base = wid * TOK_PER_W

    m24_dma = pltpu.async_copy(m24_hbm.at[pl.ds(base, TOK_PER_W)], m24_v, isem0)

    @pl.when(sid == 0)
    def _():
        pltpu.sync_copy(table_hbm, table_sp)

    m24_dma.wait()
    plsc.subcore_barrier()

    iota16 = lax.broadcasted_iota(jnp.int32, (LANES,), 0)

    def fill_idx_row(j):
        for k in range(CHUNK // LANES):
            off = j * CHUNK + k * LANES
            s = (off + iota16) % S
            idx_v[j % 4, pl.ds(k * LANES, LANES)] = s * NM + m24_v[pl.ds(off, LANES)]

    fill_idx_row(0)
    fill_idx_row(1)
    pltpu.async_copy(table_sp.at[idx_v.at[0]], buf0, sem0)

    def step(i, carry):
        j0 = 2 * i
        pltpu.make_async_copy(out_hbm.at[pl.ds(0, CHUNK)], buf0, sem0).wait()
        pltpu.async_copy(table_sp.at[idx_v.at[(j0 + 1) % 4]], buf1, sem1)

        @pl.when(j0 + 2 < NCHUNK)
        def _():
            fill_idx_row(j0 + 2)

        pltpu.sync_copy(buf0, out_hbm.at[pl.ds(base + j0 * CHUNK, CHUNK)])
        pltpu.make_async_copy(out_hbm.at[pl.ds(0, CHUNK)], buf1, sem1).wait()

        @pl.when(j0 + 2 < NCHUNK)
        def _():
            pltpu.async_copy(table_sp.at[idx_v.at[(j0 + 2) % 4]], buf0, sem0)

        @pl.when(j0 + 3 < NCHUNK)
        def _():
            fill_idx_row(j0 + 3)

        pltpu.sync_copy(buf1, out_hbm.at[pl.ds(base + (j0 + 1) * CHUNK, CHUNK)])
        return carry

    lax.fori_loop(0, NCHUNK // 2, step, 0)


def kernel(input_ids, char_positions, sentence_boundaries, char_pos_embed, seq_pos_embed, sentence_boundary_embed):
    del input_ids
    table3 = pl.pallas_call(
        _table_body,
        out_shape=jax.ShapeDtypeStruct((S, NM, H), jnp.float32),
    )(char_pos_embed, seq_pos_embed, sentence_boundary_embed)

    m24 = (char_positions.astype(jnp.int32) * NSB + sentence_boundaries.astype(jnp.int32)).reshape(NTOK)
    out = _sc_gather(table3.reshape(TBL, H), m24)
    return out.reshape(B, S, H)

# --- scband reference (transcript-rebuilt; emitter-appended) ---
"""Pipeline reference for scband-rhythmic-positional-encoding-75685913690755 (READ-ONLY COPY).

The authoritative reference and input builder live on the scoring server;
editing this copy changes nothing except your own understanding.
"""

import jax, jax.numpy as jnp
import numpy as np

B, S, H = 4096, 200, 128
MAX_SEQ_LEN = 200


def setup_inputs(seed: int = 0) -> dict:
    key = jax.random.key(seed)
    k1, k2, k3, k4, k5, k6 = jax.random.split(key, 6)
    input_ids = jax.random.randint(k1, (B, S), 0, 1000, dtype=jnp.int64 if jax.config.jax_enable_x64 else jnp.int32)
    char_positions = jax.random.randint(k2, (B, S), 0, 8, dtype=jnp.int64 if jax.config.jax_enable_x64 else jnp.int32)
    sentence_boundaries = jax.random.randint(k3, (B, S), 0, 3, dtype=jnp.int64 if jax.config.jax_enable_x64 else jnp.int32)
    char_pos_embed = jax.random.normal(k4, (8, H), dtype=jnp.float32)
    seq_pos_embed = jax.random.normal(k5, (MAX_SEQ_LEN, H), dtype=jnp.float32)
    sentence_boundary_embed = jax.random.normal(k6, (3, H), dtype=jnp.float32)
    return {
        "input_ids": input_ids,
        "char_positions": char_positions,
        "sentence_boundaries": sentence_boundaries,
        "char_pos_embed": char_pos_embed,
        "seq_pos_embed": seq_pos_embed,
        "sentence_boundary_embed": sentence_boundary_embed,
    }


def reference(input_ids, char_positions, sentence_boundaries, char_pos_embed, seq_pos_embed, sentence_boundary_embed):
    batch_size, seq_len = input_ids.shape
    seq_positions = jnp.broadcast_to(jnp.arange(seq_len)[None, :], (batch_size, seq_len))
    seq_pos_emb = jnp.take(seq_pos_embed, seq_positions, axis=0)
    char_pos_emb = jnp.take(char_pos_embed, char_positions, axis=0)
    boundary_emb = jnp.take(sentence_boundary_embed, sentence_boundaries, axis=0)
    return seq_pos_emb + char_pos_emb + boundary_emb

if __name__ == "__main__":
    import jax
    _d = setup_inputs()
    print(jax.jit(kernel)(*tuple(_d.values())))

</pallas_src>

<mosaic_0001>
#map = affine_map<(d0, d1) -> (0, 0)>
#map1 = affine_map<(d0, d1) -> (0)>
module attributes {stable_mosaic.version = 14 : i64} {
  func.func @_sc_gather(%arg0: i32, %arg1: i32, %arg2: memref<4800x128xf32, #tpu.memory_space<hbm>>, %arg3: memref<819200xi32, #tpu.memory_space<hbm>>, %arg4: memref<819200x128xf32, #tpu.memory_space<hbm>>, %arg5: memref<4800x128xf32, #tpu.memory_space<vmem_shared>>, %arg6: memref<25600xi32, #tpu.memory_space<vmem>>, %arg7: memref<4x128xi32, #tpu.memory_space<vmem>>, %arg8: memref<128x128xf32, #tpu.memory_space<vmem>>, %arg9: memref<128x128xf32, #tpu.memory_space<vmem>>, %arg10: memref<!tpu.dma_semaphore, #tpu.memory_space<semaphore_mem>>, %arg11: memref<!tpu.dma_semaphore, #tpu.memory_space<semaphore_mem>>, %arg12: memref<!tpu.dma_semaphore, #tpu.memory_space<semaphore_mem>>) attributes {dimension_semantics = [#tpu.dimension_semantics<core_parallel>, #tpu.dimension_semantics<subcore_parallel>], iteration_bounds = array<i64: 2, 16>, scalar_prefetch = 0 : i64, scratch_operands = 8 : i64, tpu.core_type = #tpu.core_type<sc_vector_subcore>, window_params = [{transform_indices = #map}, {transform_indices = #map1}, {transform_indices = #map}]} {
    %mul3A = arith.constant 2 : i32
    %mul3A_0 = arith.muli %arg1, %mul3A : i32
    %add3A = arith.addi %mul3A_0, %arg0 : i32
    %mul3A_1 = arith.constant 25600 : i32
    %mul3A_2 = arith.muli %add3A, %mul3A_1 : i32
    %dma_start3A = tpu.memref_slice %arg3[%mul3A_2] : memref<819200xi32, #tpu.memory_space<hbm>> -> memref<25600xi32, #tpu.memory_space<hbm>>
    %dma_start3A_3 = tpu.memref_slice %arg3[%mul3A_2] : memref<819200xi32, #tpu.memory_space<hbm>> -> memref<25600xi32, #tpu.memory_space<hbm>>
    tpu.enqueue_dma source(%dma_start3A_3 : memref<25600xi32, #tpu.memory_space<hbm>>) target(%arg6 : memref<25600xi32, #tpu.memory_space<vmem>>) target_semaphore(%arg12 : memref<!tpu.dma_semaphore, #tpu.memory_space<semaphore_mem>>)
    %eq3A = arith.constant 0 : i32
    %eq3A_4 = arith.cmpi eq, %arg1, %eq3A : i32
    %convert_element_type3A = arith.extui %eq3A_4 : i1 to i32
    %cond3A = arith.constant 0 : i32
    %cond3A_5 = arith.cmpi ne, %convert_element_type3A, %cond3A : i32
    scf.if %cond3A_5 {
      "tpu.region"() ({
        %run_scoped3A = tpu.sem_alloc : memref<!tpu.dma_semaphore, #tpu.memory_space<semaphore_mem>>
        tpu.enqueue_dma source(%arg2 : memref<4800x128xf32, #tpu.memory_space<hbm>>) target(%arg5 : memref<4800x128xf32, #tpu.memory_space<vmem_shared>>) target_semaphore(%run_scoped3A : memref<!tpu.dma_semaphore, #tpu.memory_space<semaphore_mem>>)
        tpu.wait_dma2 semaphore(%run_scoped3A : memref<!tpu.dma_semaphore, #tpu.memory_space<semaphore_mem>>) src(%arg2 : memref<4800x128xf32, #tpu.memory_space<hbm>>) dst(%arg5 : memref<4800x128xf32, #tpu.memory_space<vmem_shared>>)
        tpu.yield
      }) : () -> ()
    } else {
    }
    %dma_wait3A = tpu.memref_slice %arg3[%mul3A_2] : memref<819200xi32, #tpu.memory_space<hbm>> -> memref<25600xi32, #tpu.memory_space<hbm>>
    %dma_wait3A_6 = tpu.memref_slice %arg3[%mul3A_2] : memref<819200xi32, #tpu.memory_space<hbm>> -> memref<25600xi32, #tpu.memory_space<hbm>>
    tpu.wait_dma2 semaphore(%arg12 : memref<!tpu.dma_semaphore, #tpu.memory_space<semaphore_mem>>) src(%dma_wait3A_6 : memref<25600xi32, #tpu.memory_space<hbm>>) dst(%arg6 : memref<25600xi32, #tpu.memory_space<vmem>>)
    %barrier3A = arith.constant 0 : index
    tpu.barrier barrier_id(%barrier3A)
    %iota3A = tpu.iota {dimensions = array<i32: 0>} : vector<16xi32>
    %add3A_7 = arith.constant 0 : i32
    %add3A_8 = vector.broadcast %add3A_7 : i32 to vector<16xi32>
    %add3A_9 = arith.addi %add3A_8, %iota3A : vector<16xi32>
    %jit3A = arith.constant 200 : i32
    %eq3A_10 = arith.constant 0 : i32
    %eq3A_11 = arith.cmpi eq, %jit3A, %eq3A_10 : i32
    %jit3A_12 = arith.constant 1 : i32
    %select_n3A = arith.select %eq3A_11, %jit3A_12, %jit3A : i32
    %rem3A = vector.broadcast %select_n3A : i32 to vector<16xi32>
    %rem3A_13 = arith.remsi %add3A_9, %rem3A : vector<16xi32>
    %ne3A = arith.constant 0 : i32
    %ne3A_14 = vector.broadcast %ne3A : i32 to vector<16xi32>
    %ne3A_15 = arith.cmpi ne, %rem3A_13, %ne3A_14 : vector<16xi32>
    %lt3A = arith.constant 0 : i32
    %lt3A_16 = vector.broadcast %lt3A : i32 to vector<16xi32>
    %lt3A_17 = arith.cmpi slt, %rem3A_13, %lt3A_16 : vector<16xi32>
    %lt3A_18 = arith.constant 0 : i32
    %lt3A_19 = arith.cmpi slt, %select_n3A, %lt3A_18 : i32
    %ne3A_20 = vector.broadcast %lt3A_19 : i1 to vector<16xi1>
    %ne3A_21 = vector.broadcast %ne3A_20 : vector<16xi1> to vector<16xi1>
    %ne3A_22 = arith.xori %lt3A_17, %ne3A_21 : vector<16xi1>
    %and3A = arith.andi %ne3A_22, %ne3A_15 : vector<16xi1>
    %add3A_23 = vector.broadcast %select_n3A : i32 to vector<16xi32>
    %add3A_24 = arith.addi %rem3A_13, %add3A_23 : vector<16xi32>
    %select_n3A_25 = arith.select %and3A, %add3A_24, %rem3A_13 : vector<16xi1>, vector<16xi32>
    %mul3A_26 = arith.constant 24 : i32
    %mul3A_27 = vector.broadcast %mul3A_26 : i32 to vector<16xi32>
    %mul3A_28 = arith.muli %select_n3A_25, %mul3A_27 : vector<16xi32>
    %get3A = arith.constant 0 : index
    %get3A_29 = tpu.vector_load %arg6[%get3A] {strides = array<i32>} : memref<25600xi32, #tpu.memory_space<vmem>>, vector<16xi32>,
    %get3A_30 = vector.shape_cast %get3A_29 : vector<16xi32> to vector<16xi32>
    %add3A_31 = arith.addi %mul3A_28, %get3A_30 : vector<16xi32>
    %swap3A = arith.constant 0 : i32
    %swap3A_32 = arith.index_cast %swap3A : i32 to index
    %swap3A_33 = arith.constant 0 : index
    %swap3A_34 = tpu.vector_load %arg7[%swap3A_32, %swap3A_33] {strides = array<i32>} : memref<4x128xi32, #tpu.memory_space<vmem>>, vector<1x16xi32>,
    %swap3A_35 = vector.shape_cast %swap3A_34 : vector<1x16xi32> to vector<16xi32>
    %swap3A_36 = vector.shape_cast %add3A_31 : vector<16xi32> to vector<1x16xi32>
    tpu.vector_store %arg7[%swap3A_32, %swap3A_33], %swap3A_36 {strides = array<i32>} : memref<4x128xi32, #tpu.memory_space<vmem>>, vector<1x16xi32>,
    %add3A_37 = arith.constant 16 : i32
    %add3A_38 = vector.broadcast %add3A_37 : i32 to vector<16xi32>
    %add3A_39 = arith.addi %add3A_38, %iota3A : vector<16xi32>
    %jit3A_40 = arith.constant 200 : i32
    %eq3A_41 = arith.constant 0 : i32
    %eq3A_42 = arith.cmpi eq, %jit3A_40, %eq3A_41 : i32
    %jit3A_43 = arith.constant 1 : i32
    %select_n3A_44 = arith.select %eq3A_42, %jit3A_43, %jit3A_40 : i32
    %rem3A_45 = vector.broadcast %select_n3A_44 : i32 to vector<16xi32>
    %rem3A_46 = arith.remsi %add3A_39, %rem3A_45 : vector<16xi32>
    %ne3A_47 = arith.constant 0 : i32
    %ne3A_48 = vector.broadcast %ne3A_47 : i32 to vector<16xi32>
    %ne3A_49 = arith.cmpi ne, %rem3A_46, %ne3A_48 : vector<16xi32>
    %lt3A_50 = arith.constant 0 : i32
    %lt3A_51 = vector.broadcast %lt3A_50 : i32 to vector<16xi32>
    %lt3A_52 = arith.cmpi slt, %rem3A_46, %lt3A_51 : vector<16xi32>
    %lt3A_53 = arith.constant 0 : i32
    %lt3A_54 = arith.cmpi slt, %select_n3A_44, %lt3A_53 : i32
    %ne3A_55 = vector.broadcast %lt3A_54 : i1 to vector<16xi1>
    %ne3A_56 = vector.broadcast %ne3A_55 : vector<16xi1> to vector<16xi1>
    %ne3A_57 = arith.xori %lt3A_52, %ne3A_56 : vector<16xi1>
    %and3A_58 = arith.andi %ne3A_57, %ne3A_49 : vector<16xi1>
    %add3A_59 = vector.broadcast %select_n3A_44 : i32 to vector<16xi32>
    %add3A_60 = arith.addi %rem3A_46, %add3A_59 : vector<16xi32>
    %select_n3A_61 = arith.select %and3A_58, %add3A_60, %rem3A_46 : vector<16xi1>, vector<16xi32>
    %mul3A_62 = arith.constant 24 : i32
    %mul3A_63 = vector.broadcast %mul3A_62 : i32 to vector<16xi32>
    %mul3A_64 = arith.muli %select_n3A_61, %mul3A_63 : vector<16xi32>
    %get3A_65 = arith.constant 16 : index
    %get3A_66 = tpu.vector_load %arg6[%get3A_65] {strides = array<i32>} : memref<25600xi32, #tpu.memory_space<vmem>>, vector<16xi32>,
    %get3A_67 = vector.shape_cast %get3A_66 : vector<16xi32> to vector<16xi32>
    %add3A_68 = arith.addi %mul3A_64, %get3A_67 : vector<16xi32>
    %swap3A_69 = arith.constant 0 : i32
    %swap3A_70 = arith.index_cast %swap3A_69 : i32 to index
    %swap3A_71 = arith.constant 16 : index
    %swap3A_72 = tpu.vector_load %arg7[%swap3A_70, %swap3A_71] {strides = array<i32>} : memref<4x128xi32, #tpu.memory_space<vmem>>, vector<1x16xi32>,
    %swap3A_73 = vector.shape_cast %swap3A_72 : vector<1x16xi32> to vector<16xi32>
    %swap3A_74 = vector.shape_cast %add3A_68 : vector<16xi32> to vector<1x16xi32>
    tpu.vector_store %arg7[%swap3A_70, %swap3A_71], %swap3A_74 {strides = array<i32>} : memref<4x128xi32, #tpu.memory_space<vmem>>, vector<1x16xi32>,
    %add3A_75 = arith.constant 32 : i32
    %add3A_76 = vector.broadcast %add3A_75 : i32 to vector<16xi32>
    %add3A_77 = arith.addi %add3A_76, %iota3A : vector<16xi32>
    %jit3A_78 = arith.constant 200 : i32
    %eq3A_79 = arith.constant 0 : i32
    %eq3A_80 = arith.cmpi eq, %jit3A_78, %eq3A_79 : i32
    %jit3A_81 = arith.constant 1 : i32
    %select_n3A_82 = arith.select %eq3A_80, %jit3A_81, %jit3A_78 : i32
    %rem3A_83 = vector.broadcast %select_n3A_82 : i32 to vector<16xi32>
    %rem3A_84 = arith.remsi %add3A_77, %rem3A_83 : vector<16xi32>
    %ne3A_85 = arith.constant 0 : i32
    %ne3A_86 = vector.broadcast %ne3A_85 : i32 to vector<16xi32>
    %ne3A_87 = arith.cmpi ne, %rem3A_84, %ne3A_86 : vector<16xi32>
    %lt3A_88 = arith.constant 0 : i32
    %lt3A_89 = vector.broadcast %lt3A_88 : i32 to vector<16xi32>
    %lt3A_90 = arith.cmpi slt, %rem3A_84, %lt3A_89 : vector<16xi32>
    %lt3A_91 = arith.constant 0 : i32
    %lt3A_92 = arith.cmpi slt, %select_n3A_82, %lt3A_91 : i32
    %ne3A_93 = vector.broadcast %lt3A_92 : i1 to vector<16xi1>
    %ne3A_94 = vector.broadcast %ne3A_93 : vector<16xi1> to vector<16xi1>
    %ne3A_95 = arith.xori %lt3A_90, %ne3A_94 : vector<16xi1>
    %and3A_96 = arith.andi %ne3A_95, %ne3A_87 : vector<16xi1>
    %add3A_97 = vector.broadcast %select_n3A_82 : i32 to vector<16xi32>
    %add3A_98 = arith.addi %rem3A_84, %add3A_97 : vector<16xi32>
    %select_n3A_99 = arith.select %and3A_96, %add3A_98, %rem3A_84 : vector<16xi1>, vector<16xi32>
    %mul3A_100 = arith.constant 24 : i32
    %mul3A_101 = vector.broadcast %mul3A_100 : i32 to vector<16xi32>
    %mul3A_102 = arith.muli %select_n3A_99, %mul3A_101 : vector<16xi32>
    %get3A_103 = arith.constant 32 : index
    %get3A_104 = tpu.vector_load %arg6[%get3A_103] {strides = array<i32>} : memref<25600xi32, #tpu.memory_space<vmem>>, vector<16xi32>,
    %get3A_105 = vector.shape_cast %get3A_104 : vector<16xi32> to vector<16xi32>
    %add3A_106 = arith.addi %mul3A_102, %get3A_105 : vector<16xi32>
    %swap3A_107 = arith.constant 0 : i32
    %swap3A_108 = arith.index_cast %swap3A_107 : i32 to index
    %swap3A_109 = arith.constant 32 : index
    %swap3A_110 = tpu.vector_load %arg7[%swap3A_108, %swap3A_109] {strides = array<i32>} : memref<4x128xi32, #tpu.memory_space<vmem>>, vector<1x16xi32>,
    %swap3A_111 = vector.shape_cast %swap3A_110 : vector<1x16xi32> to vector<16xi32>
    %swap3A_112 = vector.shape_cast %add3A_106 : vector<16xi32> to vector<1x16xi32>
    tpu.vector_store %arg7[%swap3A_108, %swap3A_109], %swap3A_112 {strides = array<i32>} : memref<4x128xi32, #tpu.memory_space<vmem>>, vector<1x16xi32>,
    %add3A_113 = arith.constant 48 : i32
    %add3A_114 = vector.broadcast %add3A_113 : i32 to vector<16xi32>
    %add3A_115 = arith.addi %add3A_114, %iota3A : vector<16xi32>
    %jit3A_116 = arith.constant 200 : i32
    %eq3A_117 = arith.constant 0 : i32
    %eq3A_118 = arith.cmpi eq, %jit3A_116, %eq3A_117 : i32
    %jit3A_119 = arith.constant 1 : i32
    %select_n3A_120 = arith.select %eq3A_118, %jit3A_119, %jit3A_116 : i32
    %rem3A_121 = vector.broadcast %select_n3A_120 : i32 to vector<16xi32>
    %rem3A_122 = arith.remsi %add3A_115, %rem3A_121 : vector<16xi32>
    %ne3A_123 = arith.constant 0 : i32
    %ne3A_124 = vector.broadcast %ne3A_123 : i32 to vector<16xi32>
    %ne3A_125 = arith.cmpi ne, %rem3A_122, %ne3A_124 : vector<16xi32>
    %lt3A_126 = arith.constant 0 : i32
    %lt3A_127 = vector.broadcast %lt3A_126 : i32 to vector<16xi32>
    %lt3A_128 = arith.cmpi slt, %rem3A_122, %lt3A_127 : vector<16xi32>
    %lt3A_129 = arith.constant 0 : i32
    %lt3A_130 = arith.cmpi slt, %select_n3A_120, %lt3A_129 : i32
    %ne3A_131 = vector.broadcast %lt3A_130 : i1 to vector<16xi1>
    %ne3A_132 = vector.broadcast %ne3A_131 : vector<16xi1> to vector<16xi1>
    %ne3A_133 = arith.xori %lt3A_128, %ne3A_132 : vector<16xi1>
    %and3A_134 = arith.andi %ne3A_133, %ne3A_125 : vector<16xi1>
    %add3A_135 = vector.broadcast %select_n3A_120 : i32 to vector<16xi32>
    %add3A_136 = arith.addi %rem3A_122, %add3A_135 : vector<16xi32>
    %select_n3A_137 = arith.select %and3A_134, %add3A_136, %rem3A_122 : vector<16xi1>, vector<16xi32>
    %mul3A_138 = arith.constant 24 : i32
    %mul3A_139 = vector.broadcast %mul3A_138 : i32 to vector<16xi32>
    %mul3A_140 = arith.muli %select_n3A_137, %mul3A_139 : vector<16xi32>
    %get3A_141 = arith.constant 48 : index
    %get3A_142 = tpu.vector_load %arg6[%get3A_141] {strides = array<i32>} : memref<25600xi32, #tpu.memory_space<vmem>>, vector<16xi32>,
    %get3A_143 = vector.shape_cast %get3A_142 : vector<16xi32> to vector<16xi32>
    %add3A_144 = arith.addi %mul3A_140, %get3A_143 : vector<16xi32>
    %swap3A_145 = arith.constant 0 : i32
    %swap3A_146 = arith.index_cast %swap3A_145 : i32 to index
    %swap3A_147 = arith.constant 48 : index
    %swap3A_148 = tpu.vector_load %arg7[%swap3A_146, %swap3A_147] {strides = array<i32>} : memref<4x128xi32, #tpu.memory_space<vmem>>, vector<1x16xi32>,
    %swap3A_149 = vector.shape_cast %swap3A_148 : vector<1x16xi32> to vector<16xi32>
    %swap3A_150 = vector.shape_cast %add3A_144 : vector<16xi32> to vector<1x16xi32>
    tpu.vector_store %arg7[%swap3A_146, %swap3A_147], %swap3A_150 {strides = array<i32>} : memref<4x128xi32, #tpu.memory_space<vmem>>, vector<1x16xi32>,
    %add3A_151 = arith.constant 64 : i32
    %add3A_152 = vector.broadcast %add3A_151 : i32 to vector<16xi32>
    %add3A_153 = arith.addi %add3A_152, %iota3A : vector<16xi32>
    %jit3A_154 = arith.constant 200 : i32
    %eq3A_155 = arith.constant 0 : i32
    %eq3A_156 = arith.cmpi eq, %jit3A_154, %eq3A_155 : i32
    %jit3A_157 = arith.constant 1 : i32
    %select_n3A_158 = arith.select %eq3A_156, %jit3A_157, %jit3A_154 : i32
    %rem3A_159 = vector.broadcast %select_n3A_158 : i32 to vector<16xi32>
    %rem3A_160 = arith.remsi %add3A_153, %rem3A_159 : vector<16xi32>
    %ne3A_161 = arith.constant 0 : i32
    %ne3A_162 = vector.broadcast %ne3A_161 : i32 to vector<16xi32>
    %ne3A_163 = arith.cmpi ne, %rem3A_160, %ne3A_162 : vector<16xi32>
    %lt3A_164 = arith.constant 0 : i32
    %lt3A_165 = vector.broadcast %lt3A_164 : i32 to vector<16xi32>
    %lt3A_166 = arith.cmpi slt, %rem3A_160, %lt3A_165 : vector<16xi32>
    %lt3A_167 = arith.constant 0 : i32
    %lt3A_168 = arith.cmpi slt, %select_n3A_158, %lt3A_167 : i32
    %ne3A_169 = vector.broadcast %lt3A_168 : i1 to vector<16xi1>
    %ne3A_170 = vector.broadcast %ne3A_169 : vector<16xi1> to vector<16xi1>
    %ne3A_171 = arith.xori %lt3A_166, %ne3A_170 : vector<16xi1>
    %and3A_172 = arith.andi %ne3A_171, %ne3A_163 : vector<16xi1>
    %add3A_173 = vector.broadcast %select_n3A_158 : i32 to vector<16xi32>
    %add3A_174 = arith.addi %rem3A_160, %add3A_173 : vector<16xi32>
    %select_n3A_175 = arith.select %and3A_172, %add3A_174, %rem3A_160 : vector<16xi1>, vector<16xi32>
    %mul3A_176 = arith.constant 24 : i32
    %mul3A_177 = vector.broadcast %mul3A_176 : i32 to vector<16xi32>
    %mul3A_178 = arith.muli %select_n3A_175, %mul3A_177 : vector<16xi32>
    %get3A_179 = arith.constant 64 : index
    %get3A_180 = tpu.vector_load %arg6[%get3A_179] {strides = array<i32>} : memref<25600xi32, #tpu.memory_space<vmem>>, vector<16xi32>,
    %get3A_181 = vector.shape_cast %get3A_180 : vector<16xi32> to vector<16xi32>
    %add3A_182 = arith.addi %mul3A_178, %get3A_181 : vector<16xi32>
    %swap3A_183 = arith.constant 0 : i32
    %swap3A_184 = arith.index_cast %swap3A_183 : i32 to index
    %swap3A_185 = arith.constant 64 : index
    %swap3A_186 = tpu.vector_load %arg7[%swap3A_184, %swap3A_185] {strides = array<i32>} : memref<4x128xi32, #tpu.memory_space<vmem>>, vector<1x16xi32>,
    %swap3A_187 = vector.shape_cast %swap3A_186 : vector<1x16xi32> to vector<16xi32>
    %swap3A_188 = vector.shape_cast %add3A_182 : vector<16xi32> to vector<1x16xi32>
    tpu.vector_store %arg7[%swap3A_184, %swap3A_185], %swap3A_188 {strides = array<i32>} : memref<4x128xi32, #tpu.memory_space<vmem>>, vector<1x16xi32>,
    %add3A_189 = arith.constant 80 : i32
    %add3A_190 = vector.broadcast %add3A_189 : i32 to vector<16xi32>
    %add3A_191 = arith.addi %add3A_190, %iota3A : vector<16xi32>
    %jit3A_192 = arith.constant 200 : i32
    %eq3A_193 = arith.constant 0 : i32
    %eq3A_194 = arith.cmpi eq, %jit3A_192, %eq3A_193 : i32
    %jit3A_195 = arith.constant 1 : i32
    %select_n3A_196 = arith.select %eq3A_194, %jit3A_195, %jit3A_192 : i32
    %rem3A_197 = vector.broadcast %select_n3A_196 : i32 to vector<16xi32>
    %rem3A_198 = arith.remsi %add3A_191, %rem3A_197 : vector<16xi32>
    %ne3A_199 = arith.constant 0 : i32
    %ne3A_200 = vector.broadcast %ne3A_199 : i32 to vector<16xi32>
    %ne3A_201 = arith.cmpi ne, %rem3A_198, %ne3A_200 : vector<16xi32>
    %lt3A_202 = arith.constant 0 : i32
    %lt3A_203 = vector.broadcast %lt3A_202 : i32 to vector<16xi32>
    %lt3A_204 = arith.cmpi slt, %rem3A_198, %lt3A_203 : vector<16xi32>
    %lt3A_205 = arith.constant 0 : i32
    %lt3A_206 = arith.cmpi slt, %select_n3A_196, %lt3A_205 : i32
    %ne3A_207 = vector.broadcast %lt3A_206 : i1 to vector<16xi1>
    %ne3A_208 = vector.broadcast %ne3A_207 : vector<16xi1> to vector<16xi1>
    %ne3A_209 = arith.xori %lt3A_204, %ne3A_208 : vector<16xi1>
    %and3A_210 = arith.andi %ne3A_209, %ne3A_201 : vector<16xi1>
    %add3A_211 = vector.broadcast %select_n3A_196 : i32 to vector<16xi32>
    %add3A_212 = arith.addi %rem3A_198, %add3A_211 : vector<16xi32>
    %select_n3A_213 = arith.select %and3A_210, %add3A_212, %rem3A_198 : vector<16xi1>, vector<16xi32>
    %mul3A_214 = arith.constant 24 : i32
    %mul3A_215 = vector.broadcast %mul3A_214 : i32 to vector<16xi32>
    %mul3A_216 = arith.muli %select_n3A_213, %mul3A_215 : vector<16xi32>
    %get3A_217 = arith.constant 80 : index
    %get3A_218 = tpu.vector_load %arg6[%get3A_217] {strides = array<i32>} : memref<25600xi32, #tpu.memory_space<vmem>>, vector<16xi32>,
    %get3A_219 = vector.shape_cast %get3A_218 : vector<16xi32> to vector<16xi32>
    %add3A_220 = arith.addi %mul3A_216, %get3A_219 : vector<16xi32>
    %swap3A_221 = arith.constant 0 : i32
    %swap3A_222 = arith.index_cast %swap3A_221 : i32 to index
    %swap3A_223 = arith.constant 80 : index
    %swap3A_224 = tpu.vector_load %arg7[%swap3A_222, %swap3A_223] {strides = array<i32>} : memref<4x128xi32, #tpu.memory_space<vmem>>, vector<1x16xi32>,
    %swap3A_225 = vector.shape_cast %swap3A_224 : vector<1x16xi32> to vector<16xi32>
    %swap3A_226 = vector.shape_cast %add3A_220 : vector<16xi32> to vector<1x16xi32>
    tpu.vector_store %arg7[%swap3A_222, %swap3A_223], %swap3A_226 {strides = array<i32>} : memref<4x128xi32, #tpu.memory_space<vmem>>, vector<1x16xi32>,
    %add3A_227 = arith.constant 96 : i32
    %add3A_228 = vector.broadcast %add3A_227 : i32 to vector<16xi32>
    %add3A_229 = arith.addi %add3A_228, %iota3A : vector<16xi32>
    %jit3A_230 = arith.constant 200 : i32
    %eq3A_231 = arith.constant 0 : i32
    %eq3A_232 = arith.cmpi eq, %jit3A_230, %eq3A_231 : i32
    %jit3A_233 = arith.constant 1 : i32
    %select_n3A_234 = arith.select %eq3A_232, %jit3A_233, %jit3A_230 : i32
    %rem3A_235 = vector.broadcast %select_n3A_234 : i32 to vector<16xi32>
    %rem3A_236 = arith.remsi %add3A_229, %rem3A_235 : vector<16xi32>
    %ne3A_237 = arith.constant 0 : i32
    %ne3A_238 = vector.broadcast %ne3A_237 : i32 to vector<16xi32>
    %ne3A_239 = arith.cmpi ne, %rem3A_236, %ne3A_238 : vector<16xi32>
    %lt3A_240 = arith.constant 0 : i32
    %lt3A_241 = vector.broadcast %lt3A_240 : i32 to vector<16xi32>
    %lt3A_242 = arith.cmpi slt, %rem3A_236, %lt3A_241 : vector<16xi32>
    %lt3A_243 = arith.constant 0 : i32
    %lt3A_244 = arith.cmpi slt, %select_n3A_234, %lt3A_243 : i32
    %ne3A_245 = vector.broadcast %lt3A_244 : i1 to vector<16xi1>
    %ne3A_246 = vector.broadcast %ne3A_245 : vector<16xi1> to vector<16xi1>
    %ne3A_247 = arith.xori %lt3A_242, %ne3A_246 : vector<16xi1>
    %and3A_248 = arith.andi %ne3A_247, %ne3A_239 : vector<16xi1>
    %add3A_249 = vector.broadcast %select_n3A_234 : i32 to vector<16xi32>
    %add3A_250 = arith.addi %rem3A_236, %add3A_249 : vector<16xi32>
    %select_n3A_251 = arith.select %and3A_248, %add3A_250, %rem3A_236 : vector<16xi1>, vector<16xi32>
    %mul3A_252 = arith.constant 24 : i32
    %mul3A_253 = vector.broadcast %mul3A_252 : i32 to vector<16xi32>
    %mul3A_254 = arith.muli %select_n3A_251, %mul3A_253 : vector<16xi32>
    %get3A_255 = arith.constant 96 : index
    %get3A_256 = tpu.vector_load %arg6[%get3A_255] {strides = array<i32>} : memref<25600xi32, #tpu.memory_space<vmem>>, vector<16xi32>,
    %get3A_257 = vector.shape_cast %get3A_256 : vector<16xi32> to vector<16xi32>
    %add3A_258 = arith.addi %mul3A_254, %get3A_257 : vector<16xi32>
    %swap3A_259 = arith.constant 0 : i32
    %swap3A_260 = arith.index_cast %swap3A_259 : i32 to index
    %swap3A_261 = arith.constant 96 : index
    %swap3A_262 = tpu.vector_load %arg7[%swap3A_260, %swap3A_261] {strides = array<i32>} : memref<4x128xi32, #tpu.memory_space<vmem>>, vector<1x16xi32>,
    %swap3A_263 = vector.shape_cast %swap3A_262 : vector<1x16xi32> to vector<16xi32>
    %swap3A_264 = vector.shape_cast %add3A_258 : vector<16xi32> to vector<1x16xi32>
    tpu.vector_store %arg7[%swap3A_260, %swap3A_261], %swap3A_264 {strides = array<i32>} : memref<4x128xi32, #tpu.memory_space<vmem>>, vector<1x16xi32>,
    %add3A_265 = arith.constant 112 : i32
    %add3A_266 = vector.broadcast %add3A_265 : i32 to vector<16xi32>
    %add3A_267 = arith.addi %add3A_266, %iota3A : vector<16xi32>
    %jit3A_268 = arith.constant 200 : i32
    %eq3A_269 = arith.constant 0 : i32
    %eq3A_270 = arith.cmpi eq, %jit3A_268, %eq3A_269 : i32
    %jit3A_271 = arith.constant 1 : i32
    %select_n3A_272 = arith.select %eq3A_270, %jit3A_271, %jit3A_268 : i32
    %rem3A_273 = vector.broadcast %select_n3A_272 : i32 to vector<16xi32>
    %rem3A_274 = arith.remsi %add3A_267, %rem3A_273 : vector<16xi32>
    %ne3A_275 = arith.constant 0 : i32
    %ne3A_276 = vector.broadcast %ne3A_275 : i32 to vector<16xi32>
    %ne3A_277 = arith.cmpi ne, %rem3A_274, %ne3A_276 : vector<16xi32>
    %lt3A_278 = arith.constant 0 : i32
    %lt3A_279 = vector.broadcast %lt3A_278 : i32 to vector<16xi32>
    %lt3A_280 = arith.cmpi slt, %rem3A_274, %lt3A_279 : vector<16xi32>
    %lt3A_281 = arith.constant 0 : i32
    %lt3A_282 = arith.cmpi slt, %select_n3A_272, %lt3A_281 : i32
    %ne3A_283 = vector.broadcast %lt3A_282 : i1 to vector<16xi1>
    %ne3A_284 = vector.broadcast %ne3A_283 : vector<16xi1> to vector<16xi1>
    %ne3A_285 = arith.xori %lt3A_280, %ne3A_284 : vector<16xi1>
    %and3A_286 = arith.andi %ne3A_285, %ne3A_277 : vector<16xi1>
    %add3A_287 = vector.broadcast %select_n3A_272 : i32 to vector<16xi32>
    %add3A_288 = arith.addi %rem3A_274, %add3A_287 : vector<16xi32>
    %select_n3A_289 = arith.select %and3A_286, %add3A_288, %rem3A_274 : vector<16xi1>, vector<16xi32>
    %mul3A_290 = arith.constant 24 : i32
    %mul3A_291 = vector.broadcast %mul3A_290 : i32 to vector<16xi32>
    %mul3A_292 = arith.muli %select_n3A_289, %mul3A_291 : vector<16xi32>
    %get3A_293 = arith.constant 112 : index
    %get3A_294 = tpu.vector_load %arg6[%get3A_293] {strides = array<i32>} : memref<25600xi32, #tpu.memory_space<vmem>>, vector<16xi32>,
    %get3A_295 = vector.shape_cast %get3A_294 : vector<16xi32> to vector<16xi32>
    %add3A_296 = arith.addi %mul3A_292, %get3A_295 : vector<16xi32>
    %swap3A_297 = arith.constant 0 : i32
    %swap3A_298 = arith.index_cast %swap3A_297 : i32 to index
    %swap3A_299 = arith.constant 112 : index
    %swap3A_300 = tpu.vector_load %arg7[%swap3A_298, %swap3A_299] {strides = array<i32>} : memref<4x128xi32, #tpu.memory_space<vmem>>, vector<1x16xi32>,
    %swap3A_301 = vector.shape_cast %swap3A_300 : vector<1x16xi32> to vector<16xi32>
    %swap3A_302 = vector.shape_cast %add3A_296 : vector<16xi32> to vector<1x16xi32>
    tpu.vector_store %arg7[%swap3A_298, %swap3A_299], %swap3A_302 {strides = array<i32>} : memref<4x128xi32, #tpu.memory_space<vmem>>, vector<1x16xi32>,
    %add3A_303 = arith.constant 128 : i32
    %add3A_304 = vector.broadcast %add3A_303 : i32 to vector<16xi32>
    %add3A_305 = arith.addi %add3A_304, %iota3A : vector<16xi32>
    %jit3A_306 = arith.constant 200 : i32
    %eq3A_307 = arith.constant 0 : i32
    %eq3A_308 = arith.cmpi eq, %jit3A_306, %eq3A_307 : i32
    %jit3A_309 = arith.constant 1 : i32
    %select_n3A_310 = arith.select %eq3A_308, %jit3A_309, %jit3A_306 : i32
    %rem3A_311 = vector.broadcast %select_n3A_310 : i32 to vector<16xi32>
    %rem3A_312 = arith.remsi %add3A_305, %rem3A_311 : vector<16xi32>
    %ne3A_313 = arith.constant 0 : i32
    %ne3A_314 = vector.broadcast %ne3A_313 : i32 to vector<16xi32>
    %ne3A_315 = arith.cmpi ne, %rem3A_312, %ne3A_314 : vector<16xi32>
    %lt3A_316 = arith.constant 0 : i32
    %lt3A_317 = vector.broadcast %lt3A_316 : i32 to vector<16xi32>
    %lt3A_318 = arith.cmpi slt, %rem3A_312, %lt3A_317 : vector<16xi32>
    %lt3A_319 = arith.constant 0 : i32
    %lt3A_320 = arith.cmpi slt, %select_n3A_310, %lt3A_319 : i32
    %ne3A_321 = vector.broadcast %lt3A_320 : i1 to vector<16xi1>
    %ne3A_322 = vector.broadcast %ne3A_321 : vector<16xi1> to vector<16xi1>
    %ne3A_323 = arith.xori %lt3A_318, %ne3A_322 : vector<16xi1>
    %and3A_324 = arith.andi %ne3A_323, %ne3A_315 : vector<16xi1>
    %add3A_325 = vector.broadcast %select_n3A_310 : i32 to vector<16xi32>
    %add3A_326 = arith.addi %rem3A_312, %add3A_325 : vector<16xi32>
    %select_n3A_327 = arith.select %and3A_324, %add3A_326, %rem3A_312 : vector<16xi1>, vector<16xi32>
    %mul3A_328 = arith.constant 24 : i32
    %mul3A_329 = vector.broadcast %mul3A_328 : i32 to vector<16xi32>
    %mul3A_330 = arith.muli %select_n3A_327, %mul3A_329 : vector<16xi32>
    %get3A_331 = arith.constant 128 : index
    %get3A_332 = tpu.vector_load %arg6[%get3A_331] {strides = array<i32>} : memref<25600xi32, #tpu.memory_space<vmem>>, vector<16xi32>,
    %get3A_333 = vector.shape_cast %get3A_332 : vector<16xi32> to vector<16xi32>
    %add3A_334 = arith.addi %mul3A_330, %get3A_333 : vector<16xi32>
    %swap3A_335 = arith.constant 1 : i32
    %swap3A_336 = arith.index_cast %swap3A_335 : i32 to index
    %swap3A_337 = arith.constant 0 : index
    %swap3A_338 = tpu.vector_load %arg7[%swap3A_336, %swap3A_337] {strides = array<i32>} : memref<4x128xi32, #tpu.memory_space<vmem>>, vector<1x16xi32>,
    %swap3A_339 = vector.shape_cast %swap3A_338 : vector<1x16xi32> to vector<16xi32>
    %swap3A_340 = vector.shape_cast %add3A_334 : vector<16xi32> to vector<1x16xi32>
    tpu.vector_store %arg7[%swap3A_336, %swap3A_337], %swap3A_340 {strides = array<i32>} : memref<4x128xi32, #tpu.memory_space<vmem>>, vector<1x16xi32>,
    %add3A_341 = arith.constant 144 : i32
    %add3A_342 = vector.broadcast %add3A_341 : i32 to vector<16xi32>
    %add3A_343 = arith.addi %add3A_342, %iota3A : vector<16xi32>
    %jit3A_344 = arith.constant 200 : i32
    %eq3A_345 = arith.constant 0 : i32
    %eq3A_346 = arith.cmpi eq, %jit3A_344, %eq3A_345 : i32
    %jit3A_347 = arith.constant 1 : i32
    %select_n3A_348 = arith.select %eq3A_346, %jit3A_347, %jit3A_344 : i32
    %rem3A_349 = vector.broadcast %select_n3A_348 : i32 to vector<16xi32>
    %rem3A_350 = arith.remsi %add3A_343, %rem3A_349 : vector<16xi32>
    %ne3A_351 = arith.constant 0 : i32
    %ne3A_352 = vector.broadcast %ne3A_351 : i32 to vector<16xi32>
    %ne3A_353 = arith.cmpi ne, %rem3A_350, %ne3A_352 : vector<16xi32>
    %lt3A_354 = arith.constant 0 : i32
    %lt3A_355 = vector.broadcast %lt3A_354 : i32 to vector<16xi32>
    %lt3A_356 = arith.cmpi slt, %rem3A_350, %lt3A_355 : vector<16xi32>
    %lt3A_357 = arith.constant 0 : i32
    %lt3A_358 = arith.cmpi slt, %select_n3A_348, %lt3A_357 : i32
    %ne3A_359 = vector.broadcast %lt3A_358 : i1 to vector<16xi1>
    %ne3A_360 = vector.broadcast %ne3A_359 : vector<16xi1> to vector<16xi1>
    %ne3A_361 = arith.xori %lt3A_356, %ne3A_360 : vector<16xi1>
    %and3A_362 = arith.andi %ne3A_361, %ne3A_353 : vector<16xi1>
    %add3A_363 = vector.broadcast %select_n3A_348 : i32 to vector<16xi32>
    %add3A_364 = arith.addi %rem3A_350, %add3A_363 : vector<16xi32>
    %select_n3A_365 = arith.select %and3A_362, %add3A_364, %rem3A_350 : vector<16xi1>, vector<16xi32>
    %mul3A_366 = arith.constant 24 : i32
    %mul3A_367 = vector.broadcast %mul3A_366 : i32 to vector<16xi32>
    %mul3A_368 = arith.muli %select_n3A_365, %mul3A_367 : vector<16xi32>
    %get3A_369 = arith.constant 144 : index
    %get3A_370 = tpu.vector_load %arg6[%get3A_369] {strides = array<i32>} : memref<25600xi32, #tpu.memory_space<vmem>>, vector<16xi32>,
    %get3A_371 = vector.shape_cast %get3A_370 : vector<16xi32> to vector<16xi32>
    %add3A_372 = arith.addi %mul3A_368, %get3A_371 : vector<16xi32>
    %swap3A_373 = arith.constant 1 : i32
    %swap3A_374 = arith.index_cast %swap3A_373 : i32 to index
    %swap3A_375 = arith.constant 16 : index
    %swap3A_376 = tpu.vector_load %arg7[%swap3A_374, %swap3A_375] {strides = array<i32>} : memref<4x128xi32, #tpu.memory_space<vmem>>, vector<1x16xi32>,
    %swap3A_377 = vector.shape_cast %swap3A_376 : vector<1x16xi32> to vector<16xi32>
    %swap3A_378 = vector.shape_cast %add3A_372 : vector<16xi32> to vector<1x16xi32>
    tpu.vector_store %arg7[%swap3A_374, %swap3A_375], %swap3A_378 {strides = array<i32>} : memref<4x128xi32, #tpu.memory_space<vmem>>, vector<1x16xi32>,
    %add3A_379 = arith.constant 160 : i32
    %add3A_380 = vector.broadcast %add3A_379 : i32 to vector<16xi32>
    %add3A_381 = arith.addi %add3A_380, %iota3A : vector<16xi32>
    %jit3A_382 = arith.constant 200 : i32
    %eq3A_383 = arith.constant 0 : i32
    %eq3A_384 = arith.cmpi eq, %jit3A_382, %eq3A_383 : i32
    %jit3A_385 = arith.constant 1 : i32
    %select_n3A_386 = arith.select %eq3A_384, %jit3A_385, %jit3A_382 : i32
    %rem3A_387 = vector.broadcast %select_n3A_386 : i32 to vector<16xi32>
    %rem3A_388 = arith.remsi %add3A_381, %rem3A_387 : vector<16xi32>
    %ne3A_389 = arith.constant 0 : i32
    %ne3A_390 = vector.broadcast %ne3A_389 : i32 to vector<16xi32>
    %ne3A_391 = arith.cmpi ne, %rem3A_388, %ne3A_390 : vector<16xi32>
    %lt3A_392 = arith.constant 0 : i32
    %lt3A_393 = vector.broadcast %lt3A_392 : i32 to vector<16xi32>
    %lt3A_394 = arith.cmpi slt, %rem3A_388, %lt3A_393 : vector<16xi32>
    %lt3A_395 = arith.constant 0 : i32
    %lt3A_396 = arith.cmpi slt, %select_n3A_386, %lt3A_395 : i32
    %ne3A_397 = vector.broadcast %lt3A_396 : i1 to vector<16xi1>
    %ne3A_398 = vector.broadcast %ne3A_397 : vector<16xi1> to vector<16xi1>
    %ne3A_399 = arith.xori %lt3A_394, %ne3A_398 : vector<16xi1>
    %and3A_400 = arith.andi %ne3A_399, %ne3A_391 : vector<16xi1>
    %add3A_401 = vector.broadcast %select_n3A_386 : i32 to vector<16xi32>
    %add3A_402 = arith.addi %rem3A_388, %add3A_401 : vector<16xi32>
    %select_n3A_403 = arith.select %and3A_400, %add3A_402, %rem3A_388 : vector<16xi1>, vector<16xi32>
    %mul3A_404 = arith.constant 24 : i32
    %mul3A_405 = vector.broadcast %mul3A_404 : i32 to vector<16xi32>
    %mul3A_406 = arith.muli %select_n3A_403, %mul3A_405 : vector<16xi32>
    %get3A_407 = arith.constant 160 : index
    %get3A_408 = tpu.vector_load %arg6[%get3A_407] {strides = array<i32>} : memref<25600xi32, #tpu.memory_space<vmem>>, vector<16xi32>,
    %get3A_409 = vector.shape_cast %get3A_408 : vector<16xi32> to vector<16xi32>
    %add3A_410 = arith.addi %mul3A_406, %get3A_409 : vector<16xi32>
    %swap3A_411 = arith.constant 1 : i32
    %swap3A_412 = arith.index_cast %swap3A_411 : i32 to index
    %swap3A_413 = arith.constant 32 : index
    %swap3A_414 = tpu.vector_load %arg7[%swap3A_412, %swap3A_413] {strides = array<i32>} : memref<4x128xi32, #tpu.memory_space<vmem>>, vector<1x16xi32>,
    %swap3A_415 = vector.shape_cast %swap3A_414 : vector<1x16xi32> to vector<16xi32>
    %swap3A_416 = vector.shape_cast %add3A_410 : vector<16xi32> to vector<1x16xi32>
    tpu.vector_store %arg7[%swap3A_412, %swap3A_413], %swap3A_416 {strides = array<i32>} : memref<4x128xi32, #tpu.memory_space<vmem>>, vector<1x16xi32>,
    %add3A_417 = arith.constant 176 : i32
    %add3A_418 = vector.broadcast %add3A_417 : i32 to vector<16xi32>
    %add3A_419 = arith.addi %add3A_418, %iota3A : vector<16xi32>
    %jit3A_420 = arith.constant 200 : i32
    %eq3A_421 = arith.constant 0 : i32
    %eq3A_422 = arith.cmpi eq, %jit3A_420, %eq3A_421 : i32
    %jit3A_423 = arith.constant 1 : i32
    %select_n3A_424 = arith.select %eq3A_422, %jit3A_423, %jit3A_420 : i32
    %rem3A_425 = vector.broadcast %select_n3A_424 : i32 to vector<16xi32>
    %rem3A_426 = arith.remsi %add3A_419, %rem3A_425 : vector<16xi32>
    %ne3A_427 = arith.constant 0 : i32
    %ne3A_428 = vector.broadcast %ne3A_427 : i32 to vector<16xi32>
    %ne3A_429 = arith.cmpi ne, %rem3A_426, %ne3A_428 : vector<16xi32>
    %lt3A_430 = arith.constant 0 : i32
    %lt3A_431 = vector.broadcast %lt3A_430 : i32 to vector<16xi32>
    %lt3A_432 = arith.cmpi slt, %rem3A_426, %lt3A_431 : vector<16xi32>
    %lt3A_433 = arith.constant 0 : i32
    %lt3A_434 = arith.cmpi slt, %select_n3A_424, %lt3A_433 : i32
    %ne3A_435 = vector.broadcast %lt3A_434 : i1 to vector<16xi1>
    %ne3A_436 = vector.broadcast %ne3A_435 : vector<16xi1> to vector<16xi1>
    %ne3A_437 = arith.xori %lt3A_432, %ne3A_436 : vector<16xi1>
    %and3A_438 = arith.andi %ne3A_437, %ne3A_429 : vector<16xi1>
    %add3A_439 = vector.broadcast %select_n3A_424 : i32 to vector<16xi32>
    %add3A_440 = arith.addi %rem3A_426, %add3A_439 : vector<16xi32>
    %select_n3A_441 = arith.select %and3A_438, %add3A_440, %rem3A_426 : vector<16xi1>, vector<16xi32>
    %mul3A_442 = arith.constant 24 : i32
    %mul3A_443 = vector.broadcast %mul3A_442 : i32 to vector<16xi32>
    %mul3A_444 = arith.muli %select_n3A_441, %mul3A_443 : vector<16xi32>
    %get3A_445 = arith.constant 176 : index
    %get3A_446 = tpu.vector_load %arg6[%get3A_445] {strides = array<i32>} : memref<25600xi32, #tpu.memory_space<vmem>>, vector<16xi32>,
    %get3A_447 = vector.shape_cast %get3A_446 : vector<16xi32> to vector<16xi32>
    %add3A_448 = arith.addi %mul3A_444, %get3A_447 : vector<16xi32>
    %swap3A_449 = arith.constant 1 : i32
    %swap3A_450 = arith.index_cast %swap3A_449 : i32 to index
    %swap3A_451 = arith.constant 48 : index
    %swap3A_452 = tpu.vector_load %arg7[%swap3A_450, %swap3A_451] {strides = array<i32>} : memref<4x128xi32, #tpu.memory_space<vmem>>, vector<1x16xi32>,
    %swap3A_453 = vector.shape_cast %swap3A_452 : vector<1x16xi32> to vector<16xi32>
    %swap3A_454 = vector.shape_cast %add3A_448 : vector<16xi32> to vector<1x16xi32>
    tpu.vector_store %arg7[%swap3A_450, %swap3A_451], %swap3A_454 {strides = array<i32>} : memref<4x128xi32, #tpu.memory_space<vmem>>, vector<1x16xi32>,
    %add3A_455 = arith.constant 192 : i32
    %add3A_456 = vector.broadcast %add3A_455 : i32 to vector<16xi32>
    %add3A_457 = arith.addi %add3A_456, %iota3A : vector<16xi32>
    %jit3A_458 = arith.constant 200 : i32
    %eq3A_459 = arith.constant 0 : i32
    %eq3A_460 = arith.cmpi eq, %jit3A_458, %eq3A_459 : i32
    %jit3A_461 = arith.constant 1 : i32
    %select_n3A_462 = arith.select %eq3A_460, %jit3A_461, %jit3A_458 : i32
    %rem3A_463 = vector.broadcast %select_n3A_462 : i32 to vector<16xi32>
    %rem3A_464 = arith.remsi %add3A_457, %rem3A_463 : vector<16xi32>
    %ne3A_465 = arith.constant 0 : i32
    %ne3A_466 = vector.broadcast %ne3A_465 : i32 to vector<16xi32>
    %ne3A_467 = arith.cmpi ne, %rem3A_464, %ne3A_466 : vector<16xi32>
    %lt3A_468 = arith.constant 0 : i32
    %lt3A_469 = vector.broadcast %lt3A_468 : i32 to vector<16xi32>
    %lt3A_470 = arith.cmpi slt, %rem3A_464, %lt3A_469 : vector<16xi32>
    %lt3A_471 = arith.constant 0 : i32
    %lt3A_472 = arith.cmpi slt, %select_n3A_462, %lt3A_471 : i32
    %ne3A_473 = vector.broadcast %lt3A_472 : i1 to vector<16xi1>
    %ne3A_474 = vector.broadcast %ne3A_473 : vector<16xi1> to vector<16xi1>
    %ne3A_475 = arith.xori %lt3A_470, %ne3A_474 : vector<16xi1>
    %and3A_476 = arith.andi %ne3A_475, %ne3A_467 : vector<16xi1>
    %add3A_477 = vector.broadcast %select_n3A_462 : i32 to vector<16xi32>
    %add3A_478 = arith.addi %rem3A_464, %add3A_477 : vector<16xi32>
    %select_n3A_479 = arith.select %and3A_476, %add3A_478, %rem3A_464 : vector<16xi1>, vector<16xi32>
    %mul3A_480 = arith.constant 24 : i32
    %mul3A_481 = vector.broadcast %mul3A_480 : i32 to vector<16xi32>
    %mul3A_482 = arith.muli %select_n3A_479, %mul3A_481 : vector<16xi32>
    %get3A_483 = arith.constant 192 : index
    %get3A_484 = tpu.vector_load %arg6[%get3A_483] {strides = array<i32>} : memref<25600xi32, #tpu.memory_space<vmem>>, vector<16xi32>,
    %get3A_485 = vector.shape_cast %get3A_484 : vector<16xi32> to vector<16xi32>
    %add3A_486 = arith.addi %mul3A_482, %get3A_485 : vector<16xi32>
    %swap3A_487 = arith.constant 1 : i32
    %swap3A_488 = arith.index_cast %swap3A_487 : i32 to index
    %swap3A_489 = arith.constant 64 : index
    %swap3A_490 = tpu.vector_load %arg7[%swap3A_488, %swap3A_489] {strides = array<i32>} : memref<4x128xi32, #tpu.memory_space<vmem>>, vector<1x16xi32>,
    %swap3A_491 = vector.shape_cast %swap3A_490 : vector<1x16xi32> to vector<16xi32>
    %swap3A_492 = vector.shape_cast %add3A_486 : vector<16xi32> to vector<1x16xi32>
    tpu.vector_store %arg7[%swap3A_488, %swap3A_489], %swap3A_492 {strides = array<i32>} : memref<4x128xi32, #tpu.memory_space<vmem>>, vector<1x16xi32>,
    %add3A_493 = arith.constant 208 : i32
    %add3A_494 = vector.broadcast %add3A_493 : i32 to vector<16xi32>
    %add3A_495 = arith.addi %add3A_494, %iota3A : vector<16xi32>
    %jit3A_496 = arith.constant 200 : i32
    %eq3A_497 = arith.constant 0 : i32
    %eq3A_498 = arith.cmpi eq, %jit3A_496, %eq3A_497 : i32
    %jit3A_499 = arith.constant 1 : i32
    %select_n3A_500 = arith.select %eq3A_498, %jit3A_499, %jit3A_496 : i32
    %rem3A_501 = vector.broadcast %select_n3A_500 : i32 to vector<16xi32>
    %rem3A_502 = arith.remsi %add3A_495, %rem3A_501 : vector<16xi32>
    %ne3A_503 = arith.constant 0 : i32
    %ne3A_504 = vector.broadcast %ne3A_503 : i32 to vector<16xi32>
    %ne3A_505 = arith.cmpi ne, %rem3A_502, %ne3A_504 : vector<16xi32>
    %lt3A_506 = arith.constant 0 : i32
    %lt3A_507 = vector.broadcast %lt3A_506 : i32 to vector<16xi32>
    %lt3A_508 = arith.cmpi slt, %rem3A_502, %lt3A_507 : vector<16xi32>
    %lt3A_509 = arith.constant 0 : i32
    %lt3A_510 = arith.cmpi slt, %select_n3A_500, %lt3A_509 : i32
    %ne3A_511 = vector.broadcast %lt3A_510 : i1 to vector<16xi1>
    %ne3A_512 = vector.broadcast %ne3A_511 : vector<16xi1> to vector<16xi1>
    %ne3A_513 = arith.xori %lt3A_508, %ne3A_512 : vector<16xi1>
    %and3A_514 = arith.andi %ne3A_513, %ne3A_505 : vector<16xi1>
    %add3A_515 = vector.broadcast %select_n3A_500 : i32 to vector<16xi32>
    %add3A_516 = arith.addi %rem3A_502, %add3A_515 : vector<16xi32>
    %select_n3A_517 = arith.select %and3A_514, %add3A_516, %rem3A_502 : vector<16xi1>, vector<16xi32>
    %mul3A_518 = arith.constant 24 : i32
    %mul3A_519 = vector.broadcast %mul3A_518 : i32 to vector<16xi32>
    %mul3A_520 = arith.muli %select_n3A_517, %mul3A_519 : vector<16xi32>
    %get3A_521 = arith.constant 208 : index
    %get3A_522 = tpu.vector_load %arg6[%get3A_521] {strides = array<i32>} : memref<25600xi32, #tpu.memory_space<vmem>>, vector<16xi32>,
    %get3A_523 = vector.shape_cast %get3A_522 : vector<16xi32> to vector<16xi32>
    %add3A_524 = arith.addi %mul3A_520, %get3A_523 : vector<16xi32>
    %swap3A_525 = arith.constant 1 : i32
    %swap3A_526 = arith.index_cast %swap3A_525 : i32 to index
    %swap3A_527 = arith.constant 80 : index
    %swap3A_528 = tpu.vector_load %arg7[%swap3A_526, %swap3A_527] {strides = array<i32>} : memref<4x128xi32, #tpu.memory_space<vmem>>, vector<1x16xi32>,
    %swap3A_529 = vector.shape_cast %swap3A_528 : vector<1x16xi32> to vector<16xi32>
    %swap3A_530 = vector.shape_cast %add3A_524 : vector<16xi32> to vector<1x16xi32>
    tpu.vector_store %arg7[%swap3A_526, %swap3A_527], %swap3A_530 {strides = array<i32>} : memref<4x128xi32, #tpu.memory_space<vmem>>, vector<1x16xi32>,
    %add3A_531 = arith.constant 224 : i32
    %add3A_532 = vector.broadcast %add3A_531 : i32 to vector<16xi32>
    %add3A_533 = arith.addi %add3A_532, %iota3A : vector<16xi32>
    %jit3A_534 = arith.constant 200 : i32
    %eq3A_535 = arith.constant 0 : i32
    %eq3A_536 = arith.cmpi eq, %jit3A_534, %eq3A_535 : i32
    %jit3A_537 = arith.constant 1 : i32
    %select_n3A_538 = arith.select %eq3A_536, %jit3A_537, %jit3A_534 : i32
    %rem3A_539 = vector.broadcast %select_n3A_538 : i32 to vector<16xi32>
    %rem3A_540 = arith.remsi %add3A_533, %rem3A_539 : vector<16xi32>
    %ne3A_541 = arith.constant 0 : i32
    %ne3A_542 = vector.broadcast %ne3A_541 : i32 to vector<16xi32>
    %ne3A_543 = arith.cmpi ne, %rem3A_540, %ne3A_542 : vector<16xi32>
    %lt3A_544 = arith.constant 0 : i32
    %lt3A_545 = vector.broadcast %lt3A_544 : i32 to vector<16xi32>
    %lt3A_546 = arith.cmpi slt, %rem3A_540, %lt3A_545 : vector<16xi32>
    %lt3A_547 = arith.constant 0 : i32
    %lt3A_548 = arith.cmpi slt, %select_n3A_538, %lt3A_547 : i32
    %ne3A_549 = vector.broadcast %lt3A_548 : i1 to vector<16xi1>
    %ne3A_550 = vector.broadcast %ne3A_549 : vector<16xi1> to vector<16xi1>
    %ne3A_551 = arith.xori %lt3A_546, %ne3A_550 : vector<16xi1>
    %and3A_552 = arith.andi %ne3A_551, %ne3A_543 : vector<16xi1>
    %add3A_553 = vector.broadcast %select_n3A_538 : i32 to vector<16xi32>
    %add3A_554 = arith.addi %rem3A_540, %add3A_553 : vector<16xi32>
    %select_n3A_555 = arith.select %and3A_552, %add3A_554, %rem3A_540 : vector<16xi1>, vector<16xi32>
    %mul3A_556 = arith.constant 24 : i32
    %mul3A_557 = vector.broadcast %mul3A_556 : i32 to vector<16xi32>
    %mul3A_558 = arith.muli %select_n3A_555, %mul3A_557 : vector<16xi32>
    %get3A_559 = arith.constant 224 : index
    %get3A_560 = tpu.vector_load %arg6[%get3A_559] {strides = array<i32>} : memref<25600xi32, #tpu.memory_space<vmem>>, vector<16xi32>,
    %get3A_561 = vector.shape_cast %get3A_560 : vector<16xi32> to vector<16xi32>
    %add3A_562 = arith.addi %mul3A_558, %get3A_561 : vector<16xi32>
    %swap3A_563 = arith.constant 1 : i32
    %swap3A_564 = arith.index_cast %swap3A_563 : i32 to index
    %swap3A_565 = arith.constant 96 : index
    %swap3A_566 = tpu.vector_load %arg7[%swap3A_564, %swap3A_565] {strides = array<i32>} : memref<4x128xi32, #tpu.memory_space<vmem>>, vector<1x16xi32>,
    %swap3A_567 = vector.shape_cast %swap3A_566 : vector<1x16xi32> to vector<16xi32>
    %swap3A_568 = vector.shape_cast %add3A_562 : vector<16xi32> to vector<1x16xi32>
    tpu.vector_store %arg7[%swap3A_564, %swap3A_565], %swap3A_568 {strides = array<i32>} : memref<4x128xi32, #tpu.memory_space<vmem>>, vector<1x16xi32>,
    %add3A_569 = arith.constant 240 : i32
    %add3A_570 = vector.broadcast %add3A_569 : i32 to vector<16xi32>
    %add3A_571 = arith.addi %add3A_570, %iota3A : vector<16xi32>
    %jit3A_572 = arith.constant 200 : i32
    %eq3A_573 = arith.constant 0 : i32
    %eq3A_574 = arith.cmpi eq, %jit3A_572, %eq3A_573 : i32
    %jit3A_575 = arith.constant 1 : i32
    %select_n3A_576 = arith.select %eq3A_574, %jit3A_575, %jit3A_572 : i32
    %rem3A_577 = vector.broadcast %select_n3A_576 : i32 to vector<16xi32>
    %rem3A_578 = arith.remsi %add3A_571, %rem3A_577 : vector<16xi32>
    %ne3A_579 = arith.constant 0 : i32
    %ne3A_580 = vector.broadcast %ne3A_579 : i32 to vector<16xi32>
    %ne3A_581 = arith.cmpi ne, %rem3A_578, %ne3A_580 : vector<16xi32>
    %lt3A_582 = arith.constant 0 : i32
    %lt3A_583 = vector.broadcast %lt3A_582 : i32 to vector<16xi32>
    %lt3A_584 = arith.cmpi slt, %rem3A_578, %lt3A_583 : vector<16xi32>
    %lt3A_585 = arith.constant 0 : i32
    %lt3A_586 = arith.cmpi slt, %select_n3A_576, %lt3A_585 : i32
    %ne3A_587 = vector.broadcast %lt3A_586 : i1 to vector<16xi1>
    %ne3A_588 = vector.broadcast %ne3A_587 : vector<16xi1> to vector<16xi1>
    %ne3A_589 = arith.xori %lt3A_584, %ne3A_588 : vector<16xi1>
    %and3A_590 = arith.andi %ne3A_589, %ne3A_581 : vector<16xi1>
    %add3A_591 = vector.broadcast %select_n3A_576 : i32 to vector<16xi32>
    %add3A_592 = arith.addi %rem3A_578, %add3A_591 : vector<16xi32>
    %select_n3A_593 = arith.select %and3A_590, %add3A_592, %rem3A_578 : vector<16xi1>, vector<16xi32>
    %mul3A_594 = arith.constant 24 : i32
    %mul3A_595 = vector.broadcast %mul3A_594 : i32 to vector<16xi32>
    %mul3A_596 = arith.muli %select_n3A_593, %mul3A_595 : vector<16xi32>
    %get3A_597 = arith.constant 240 : index
    %get3A_598 = tpu.vector_load %arg6[%get3A_597] {strides = array<i32>} : memref<25600xi32, #tpu.memory_space<vmem>>, vector<16xi32>,
    %get3A_599 = vector.shape_cast %get3A_598 : vector<16xi32> to vector<16xi32>
    %add3A_600 = arith.addi %mul3A_596, %get3A_599 : vector<16xi32>
    %swap3A_601 = arith.constant 1 : i32
    %swap3A_602 = arith.index_cast %swap3A_601 : i32 to index
    %swap3A_603 = arith.constant 112 : index
    %swap3A_604 = tpu.vector_load %arg7[%swap3A_602, %swap3A_603] {strides = array<i32>} : memref<4x128xi32, #tpu.memory_space<vmem>>, vector<1x16xi32>,
    %swap3A_605 = vector.shape_cast %swap3A_604 : vector<1x16xi32> to vector<16xi32>
    %swap3A_606 = vector.shape_cast %add3A_600 : vector<16xi32> to vector<1x16xi32>
    tpu.vector_store %arg7[%swap3A_602, %swap3A_603], %swap3A_606 {strides = array<i32>} : memref<4x128xi32, #tpu.memory_space<vmem>>, vector<1x16xi32>,
    %dma_start3A_607 = arith.constant 0 : i32
    %dma_start3A_608 = arith.constant 0 : i32
    %dma_start3A_609 = tpu.memref_slice %arg7[%dma_start3A_607, %dma_start3A_608] : memref<4x128xi32, #tpu.memory_space<vmem>> -> memref<1x128xi32, #tpu.memory_space<vmem>>
    %dma_start3A_610 = tpu.memref_squeeze %dma_start3A_609 : memref<1x128xi32, #tpu.memory_space<vmem>> -> memref<128xi32, #tpu.memory_space<vmem>>
    %dma_start3A_611 = arith.constant 0 : i32
    %dma_start3A_612 = arith.constant 0 : i32
    %dma_start3A_613 = tpu.memref_slice %arg5[%dma_start3A_611, %dma_start3A_612] : memref<4800x128xf32, #tpu.memory_space<vmem_shared>> -> memref<4800x128xf32, #tpu.memory_space<vmem_shared>>
    tpu.enqueue_indirect_dma source(%dma_start3A_613 : memref<4800x128xf32, #tpu.memory_space<vmem_shared>>) target(%arg8 : memref<128x128xf32, #tpu.memory_space<vmem>>) offsets(%dma_start3A_610 : memref<128xi32, #tpu.memory_space<vmem>>) semaphore(%arg10 : memref<!tpu.dma_semaphore, #tpu.memory_space<semaphore_mem>>)
    %scan3A = arith.constant 0 : i32
    %scan3A_614 = arith.constant 0 : i32
    %scan3A_615 = arith.constant 100 : i32
    %scan3A_616 = arith.addi %scan3A_614, %scan3A_615 : i32
    %scan3A_617 = arith.constant 1 : i32
    scf.for %scan3A_619 = %scan3A_614 to %scan3A_616 step %scan3A_617  : i32 {
      %mul3A_620 = arith.constant 2 : i32
      %mul3A_621 = arith.muli %mul3A_620, %scan3A_619 : i32
      %dma_wait3A_622 = arith.constant 0 : i32
      %dma_wait3A_623 = arith.constant 0 : i32
      %dma_wait3A_624 = tpu.memref_slice %arg4[%dma_wait3A_622, %dma_wait3A_623] : memref<819200x128xf32, #tpu.memory_space<hbm>> -> memref<128x128xf32, #tpu.memory_space<hbm>>
      %dma_wait3A_625 = arith.constant 0 : i32
      %dma_wait3A_626 = arith.constant 0 : i32
      %dma_wait3A_627 = tpu.memref_slice %arg4[%dma_wait3A_625, %dma_wait3A_626] : memref<819200x128xf32, #tpu.memory_space<hbm>> -> memref<128x128xf32, #tpu.memory_space<hbm>>
      tpu.wait_dma2 semaphore(%arg10 : memref<!tpu.dma_semaphore, #tpu.memory_space<semaphore_mem>>) src(%dma_wait3A_627 : memref<128x128xf32, #tpu.memory_space<hbm>>) dst(%arg8 : memref<128x128xf32, #tpu.memory_space<vmem>>)
      %add3A_628 = arith.constant 1 : i32
      %add3A_629 = arith.addi %mul3A_621, %add3A_628 : i32
      %jit3A_630 = arith.constant 4 : i32
      %eq3A_631 = arith.constant 0 : i32
      %eq3A_632 = arith.cmpi eq, %jit3A_630, %eq3A_631 : i32
      %jit3A_633 = arith.constant 1 : i32
      %select_n3A_634 = arith.select %eq3A_632, %jit3A_633, %jit3A_630 : i32
      %rem3A_635 = arith.remsi %add3A_629, %select_n3A_634 : i32
      %ne3A_636 = arith.constant 0 : i32
      %ne3A_637 = arith.cmpi ne, %rem3A_635, %ne3A_636 : i32
      %lt3A_638 = arith.constant 0 : i32
      %lt3A_639 = arith.cmpi slt, %rem3A_635, %lt3A_638 : i32
      %lt3A_640 = arith.constant 0 : i32
      %lt3A_641 = arith.cmpi slt, %select_n3A_634, %lt3A_640 : i32
      %ne3A_642 = arith.xori %lt3A_639, %lt3A_641 : i1
      %and3A_643 = arith.andi %ne3A_642, %ne3A_637 : i1
      %add3A_644 = arith.addi %rem3A_635, %select_n3A_634 : i32
      %select_n3A_645 = arith.select %and3A_643, %add3A_644, %rem3A_635 : i32
      %dma_start3A_646 = arith.constant 0 : i32
      %dma_start3A_647 = tpu.memref_slice %arg7[%select_n3A_645, %dma_start3A_646] : memref<4x128xi32, #tpu.memory_space<vmem>> -> memref<1x128xi32, #tpu.memory_space<vmem>>
      %dma_start3A_648 = tpu.memref_squeeze %dma_start3A_647 : memref<1x128xi32, #tpu.memory_space<vmem>> -> memref<128xi32, #tpu.memory_space<vmem>>
      %dma_start3A_649 = arith.constant 0 : i32
      %dma_start3A_650 = arith.constant 0 : i32
      %dma_start3A_651 = tpu.memref_slice %arg5[%dma_start3A_649, %dma_start3A_650] : memref<4800x128xf32, #tpu.memory_space<vmem_shared>> -> memref<4800x128xf32, #tpu.memory_space<vmem_shared>>
      tpu.enqueue_indirect_dma source(%dma_start3A_651 : memref<4800x128xf32, #tpu.memory_space<vmem_shared>>) target(%arg9 : memref<128x128xf32, #tpu.memory_space<vmem>>) offsets(%dma_start3A_648 : memref<128xi32, #tpu.memory_space<vmem>>) semaphore(%arg11 : memref<!tpu.dma_semaphore, #tpu.memory_space<semaphore_mem>>)
      %add3A_652 = arith.constant 2 : i32
      %add3A_653 = arith.addi %mul3A_621, %add3A_652 : i32
      %lt3A_654 = arith.constant 200 : i32
      %lt3A_655 = arith.cmpi slt, %add3A_653, %lt3A_654 : i32
      %convert_element_type3A_656 = arith.extui %lt3A_655 : i1 to i32
      %cond3A_657 = arith.constant 0 : i32
      %cond3A_658 = arith.cmpi ne, %convert_element_type3A_656, %cond3A_657 : i32
      scf.if %cond3A_658 {
        %add3A_687 = arith.constant 2 : i32
        %add3A_688 = arith.addi %mul3A_621, %add3A_687 : i32
        %mul3A_689 = arith.constant 128 : i32
        %mul3A_690 = arith.muli %add3A_688, %mul3A_689 : i32
        %add3A_691 = arith.constant 0 : i32
        %add3A_692 = arith.addi %mul3A_690, %add3A_691 : i32
        %add3A_693 = vector.broadcast %add3A_692 : i32 to vector<16xi32>
        %add3A_694 = arith.addi %add3A_693, %iota3A : vector<16xi32>
        %jit3A_695 = arith.constant 200 : i32
        %eq3A_696 = arith.constant 0 : i32
        %eq3A_697 = arith.cmpi eq, %jit3A_695, %eq3A_696 : i32
        %jit3A_698 = arith.constant 1 : i32
        %select_n3A_699 = arith.select %eq3A_697, %jit3A_698, %jit3A_695 : i32
        %rem3A_700 = vector.broadcast %select_n3A_699 : i32 to vector<16xi32>
        %rem3A_701 = arith.remsi %add3A_694, %rem3A_700 : vector<16xi32>
        %ne3A_702 = arith.constant 0 : i32
        %ne3A_703 = vector.broadcast %ne3A_702 : i32 to vector<16xi32>
        %ne3A_704 = arith.cmpi ne, %rem3A_701, %ne3A_703 : vector<16xi32>
        %lt3A_705 = arith.constant 0 : i32
        %lt3A_706 = vector.broadcast %lt3A_705 : i32 to vector<16xi32>
        %lt3A_707 = arith.cmpi slt, %rem3A_701, %lt3A_706 : vector<16xi32>
        %lt3A_708 = arith.constant 0 : i32
        %lt3A_709 = arith.cmpi slt, %select_n3A_699, %lt3A_708 : i32
        %ne3A_710 = vector.broadcast %lt3A_709 : i1 to vector<16xi1>
        %ne3A_711 = vector.broadcast %ne3A_710 : vector<16xi1> to vector<16xi1>
        %ne3A_712 = arith.xori %lt3A_707, %ne3A_711 : vector<16xi1>
        %and3A_713 = arith.andi %ne3A_712, %ne3A_704 : vector<16xi1>
        %add3A_714 = vector.broadcast %select_n3A_699 : i32 to vector<16xi32>
        %add3A_715 = arith.addi %rem3A_701, %add3A_714 : vector<16xi32>
        %select_n3A_716 = arith.select %and3A_713, %add3A_715, %rem3A_701 : vector<16xi1>, vector<16xi32>
        %mul3A_717 = arith.constant 24 : i32
        %mul3A_718 = vector.broadcast %mul3A_717 : i32 to vector<16xi32>
        %mul3A_719 = arith.muli %select_n3A_716, %mul3A_718 : vector<16xi32>
        %get3A_720 = arith.index_cast %add3A_692 : i32 to index
        %get3A_721 = tpu.vector_load %arg6[%get3A_720] {strides = array<i32>} : memref<25600xi32, #tpu.memory_space<vmem>>, vector<16xi32>,
        %get3A_722 = vector.shape_cast %get3A_721 : vector<16xi32> to vector<16xi32>
        %add3A_723 = arith.addi %mul3A_719, %get3A_722 : vector<16xi32>
        %jit3A_724 = arith.constant 4 : i32
        %eq3A_725 = arith.constant 0 : i32
        %eq3A_726 = arith.cmpi eq, %jit3A_724, %eq3A_725 : i32
        %jit3A_727 = arith.constant 1 : i32
        %select_n3A_728 = arith.select %eq3A_726, %jit3A_727, %jit3A_724 : i32
        %rem3A_729 = arith.remsi %add3A_688, %select_n3A_728 : i32
        %ne3A_730 = arith.constant 0 : i32
        %ne3A_731 = arith.cmpi ne, %rem3A_729, %ne3A_730 : i32
        %lt3A_732 = arith.constant 0 : i32
        %lt3A_733 = arith.cmpi slt, %rem3A_729, %lt3A_732 : i32
        %lt3A_734 = arith.constant 0 : i32
        %lt3A_735 = arith.cmpi slt, %select_n3A_728, %lt3A_734 : i32
        %ne3A_736 = arith.xori %lt3A_733, %lt3A_735 : i1
        %and3A_737 = arith.andi %ne3A_736, %ne3A_731 : i1
        %add3A_738 = arith.addi %rem3A_729, %select_n3A_728 : i32
        %select_n3A_739 = arith.select %and3A_737, %add3A_738, %rem3A_729 : i32
        %swap3A_740 = arith.index_cast %select_n3A_739 : i32 to index
        %swap3A_741 = arith.constant 0 : index
        %swap3A_742 = tpu.vector_load %arg7[%swap3A_740, %swap3A_741] {strides = array<i32>} : memref<4x128xi32, #tpu.memory_space<vmem>>, vector<1x16xi32>,
        %swap3A_743 = vector.shape_cast %swap3A_742 : vector<1x16xi32> to vector<16xi32>
        %swap3A_744 = vector.shape_cast %add3A_723 : vector<16xi32> to vector<1x16xi32>
        tpu.vector_store %arg7[%swap3A_740, %swap3A_741], %swap3A_744 {strides = array<i32>} : memref<4x128xi32, #tpu.memory_space<vmem>>, vector<1x16xi32>,
        %mul3A_745 = arith.constant 128 : i32
        %mul3A_746 = arith.muli %add3A_688, %mul3A_745 : i32
        %add3A_747 = arith.constant 16 : i32
        %add3A_748 = arith.addi %mul3A_746, %add3A_747 : i32
        %add3A_749 = vector.broadcast %add3A_748 : i32 to vector<16xi32>
        %add3A_750 = arith.addi %add3A_749, %iota3A : vector<16xi32>
        %jit3A_751 = arith.constant 200 : i32
        %eq3A_752 = arith.constant 0 : i32
        %eq3A_753 = arith.cmpi eq, %jit3A_751, %eq3A_752 : i32
        %jit3A_754 = arith.constant 1 : i32
        %select_n3A_755 = arith.select %eq3A_753, %jit3A_754, %jit3A_751 : i32
        %rem3A_756 = vector.broadcast %select_n3A_755 : i32 to vector<16xi32>
        %rem3A_757 = arith.remsi %add3A_750, %rem3A_756 : vector<16xi32>
        %ne3A_758 = arith.constant 0 : i32
        %ne3A_759 = vector.broadcast %ne3A_758 : i32 to vector<16xi32>
        %ne3A_760 = arith.cmpi ne, %rem3A_757, %ne3A_759 : vector<16xi32>
        %lt3A_761 = arith.constant 0 : i32
        %lt3A_762 = vector.broadcast %lt3A_761 : i32 to vector<16xi32>
        %lt3A_763 = arith.cmpi slt, %rem3A_757, %lt3A_762 : vector<16xi32>
        %lt3A_764 = arith.constant 0 : i32
        %lt3A_765 = arith.cmpi slt, %select_n3A_755, %lt3A_764 : i32
        %ne3A_766 = vector.broadcast %lt3A_765 : i1 to vector<16xi1>
        %ne3A_767 = vector.broadcast %ne3A_766 : vector<16xi1> to vector<16xi1>
        %ne3A_768 = arith.xori %lt3A_763, %ne3A_767 : vector<16xi1>
        %and3A_769 = arith.andi %ne3A_768, %ne3A_760 : vector<16xi1>
        %add3A_770 = vector.broadcast %select_n3A_755 : i32 to vector<16xi32>
        %add3A_771 = arith.addi %rem3A_757, %add3A_770 : vector<16xi32>
        %select_n3A_772 = arith.select %and3A_769, %add3A_771, %rem3A_757 : vector<16xi1>, vector<16xi32>
        %mul3A_773 = arith.constant 24 : i32
        %mul3A_774 = vector.broadcast %mul3A_773 : i32 to vector<16xi32>
        %mul3A_775 = arith.muli %select_n3A_772, %mul3A_774 : vector<16xi32>
        %get3A_776 = arith.index_cast %add3A_748 : i32 to index
        %get3A_777 = tpu.vector_load %arg6[%get3A_776] {strides = array<i32>} : memref<25600xi32, #tpu.memory_space<vmem>>, vector<16xi32>,
        %get3A_778 = vector.shape_cast %get3A_777 : vector<16xi32> to vector<16xi32>
        %add3A_779 = arith.addi %mul3A_775, %get3A_778 : vector<16xi32>
        %jit3A_780 = arith.constant 4 : i32
        %eq3A_781 = arith.constant 0 : i32
        %eq3A_782 = arith.cmpi eq, %jit3A_780, %eq3A_781 : i32
        %jit3A_783 = arith.constant 1 : i32
        %select_n3A_784 = arith.select %eq3A_782, %jit3A_783, %jit3A_780 : i32
        %rem3A_785 = arith.remsi %add3A_688, %select_n3A_784 : i32
        %ne3A_786 = arith.constant 0 : i32
        %ne3A_787 = arith.cmpi ne, %rem3A_785, %ne3A_786 : i32
        %lt3A_788 = arith.constant 0 : i32
        %lt3A_789 = arith.cmpi slt, %rem3A_785, %lt3A_788 : i32
        %lt3A_790 = arith.constant 0 : i32
        %lt3A_791 = arith.cmpi slt, %select_n3A_784, %lt3A_790 : i32
        %ne3A_792 = arith.xori %lt3A_789, %lt3A_791 : i1
        %and3A_793 = arith.andi %ne3A_792, %ne3A_787 : i1
        %add3A_794 = arith.addi %rem3A_785, %select_n3A_784 : i32
        %select_n3A_795 = arith.select %and3A_793, %add3A_794, %rem3A_785 : i32
        %swap3A_796 = arith.index_cast %select_n3A_795 : i32 to index
        %swap3A_797 = arith.constant 16 : index
        %swap3A_798 = tpu.vector_load %arg7[%swap3A_796, %swap3A_797] {strides = array<i32>} : memref<4x128xi32, #tpu.memory_space<vmem>>, vector<1x16xi32>,
        %swap3A_799 = vector.shape_cast %swap3A_798 : vector<1x16xi32> to vector<16xi32>
        %swap3A_800 = vector.shape_cast %add3A_779 : vector<16xi32> to vector<1x16xi32>
        tpu.vector_store %arg7[%swap3A_796, %swap3A_797], %swap3A_800 {strides = array<i32>} : memref<4x128xi32, #tpu.memory_space<vmem>>, vector<1x16xi32>,
        %mul3A_801 = arith.constant 128 : i32
        %mul3A_802 = arith.muli %add3A_688, %mul3A_801 : i32
        %add3A_803 = arith.constant 32 : i32
        %add3A_804 = arith.addi %mul3A_802, %add3A_803 : i32
        %add3A_805 = vector.broadcast %add3A_804 : i32 to vector<16xi32>
        %add3A_806 = arith.addi %add3A_805, %iota3A : vector<16xi32>
        %jit3A_807 = arith.constant 200 : i32
        %eq3A_808 = arith.constant 0 : i32
        %eq3A_809 = arith.cmpi eq, %jit3A_807, %eq3A_808 : i32
        %jit3A_810 = arith.constant 1 : i32
        %select_n3A_811 = arith.select %eq3A_809, %jit3A_810, %jit3A_807 : i32
        %rem3A_812 = vector.broadcast %select_n3A_811 : i32 to vector<16xi32>
        %rem3A_813 = arith.remsi %add3A_806, %rem3A_812 : vector<16xi32>
        %ne3A_814 = arith.constant 0 : i32
        %ne3A_815 = vector.broadcast %ne3A_814 : i32 to vector<16xi32>
        %ne3A_816 = arith.cmpi ne, %rem3A_813, %ne3A_815 : vector<16xi32>
        %lt3A_817 = arith.constant 0 : i32
        %lt3A_818 = vector.broadcast %lt3A_817 : i32 to vector<16xi32>
        %lt3A_819 = arith.cmpi slt, %rem3A_813, %lt3A_818 : vector<16xi32>
        %lt3A_820 = arith.constant 0 : i32
        %lt3A_821 = arith.cmpi slt, %select_n3A_811, %lt3A_820 : i32
        %ne3A_822 = vector.broadcast %lt3A_821 : i1 to vector<16xi1>
        %ne3A_823 = vector.broadcast %ne3A_822 : vector<16xi1> to vector<16xi1>
        %ne3A_824 = arith.xori %lt3A_819, %ne3A_823 : vector<16xi1>
        %and3A_825 = arith.andi %ne3A_824, %ne3A_816 : vector<16xi1>
        %add3A_826 = vector.broadcast %select_n3A_811 : i32 to vector<16xi32>
        %add3A_827 = arith.addi %rem3A_813, %add3A_826 : vector<16xi32>
        %select_n3A_828 = arith.select %and3A_825, %add3A_827, %rem3A_813 : vector<16xi1>, vector<16xi32>
        %mul3A_829 = arith.constant 24 : i32
        %mul3A_830 = vector.broadcast %mul3A_829 : i32 to vector<16xi32>
        %mul3A_831 = arith.muli %select_n3A_828, %mul3A_830 : vector<16xi32>
        %get3A_832 = arith.index_cast %add3A_804 : i32 to index
        %get3A_833 = tpu.vector_load %arg6[%get3A_832] {strides = array<i32>} : memref<25600xi32, #tpu.memory_space<vmem>>, vector<16xi32>,
        %get3A_834 = vector.shape_cast %get3A_833 : vector<16xi32> to vector<16xi32>
        %add3A_835 = arith.addi %mul3A_831, %get3A_834 : vector<16xi32>
        %jit3A_836 = arith.constant 4 : i32
        %eq3A_837 = arith.constant 0 : i32
        %eq3A_838 = arith.cmpi eq, %jit3A_836, %eq3A_837 : i32
        %jit3A_839 = arith.constant 1 : i32
        %select_n3A_840 = arith.select %eq3A_838, %jit3A_839, %jit3A_836 : i32
        %rem3A_841 = arith.remsi %add3A_688, %select_n3A_840 : i32
        %ne3A_842 = arith.constant 0 : i32
        %ne3A_843 = arith.cmpi ne, %rem3A_841, %ne3A_842 : i32
        %lt3A_844 = arith.constant 0 : i32
        %lt3A_845 = arith.cmpi slt, %rem3A_841, %lt3A_844 : i32
        %lt3A_846 = arith.constant 0 : i32
        %lt3A_847 = arith.cmpi slt, %select_n3A_840, %lt3A_846 : i32
        %ne3A_848 = arith.xori %lt3A_845, %lt3A_847 : i1
        %and3A_849 = arith.andi %ne3A_848, %ne3A_843 : i1
        %add3A_850 = arith.addi %rem3A_841, %select_n3A_840 : i32
        %select_n3A_851 = arith.select %and3A_849, %add3A_850, %rem3A_841 : i32
        %swap3A_852 = arith.index_cast %select_n3A_851 : i32 to index
        %swap3A_853 = arith.constant 32 : index
        %swap3A_854 = tpu.vector_load %arg7[%swap3A_852, %swap3A_853] {strides = array<i32>} : memref<4x128xi32, #tpu.memory_space<vmem>>, vector<1x16xi32>,
        %swap3A_855 = vector.shape_cast %swap3A_854 : vector<1x16xi32> to vector<16xi32>
        %swap3A_856 = vector.shape_cast %add3A_835 : vector<16xi32> to vector<1x16xi32>
        tpu.vector_store %arg7[%swap3A_852, %swap3A_853], %swap3A_856 {strides = array<i32>} : memref<4x128xi32, #tpu.memory_space<vmem>>, vector<1x16xi32>,
        %mul3A_857 = arith.constant 128 : i32
        %mul3A_858 = arith.muli %add3A_688, %mul3A_857 : i32
        %add3A_859 = arith.constant 48 : i32
        %add3A_860 = arith.addi %mul3A_858, %add3A_859 : i32
        %add3A_861 = vector.broadcast %add3A_860 : i32 to vector<16xi32>
        %add3A_862 = arith.addi %add3A_861, %iota3A : vector<16xi32>
        %jit3A_863 = arith.constant 200 : i32
        %eq3A_864 = arith.constant 0 : i32
        %eq3A_865 = arith.cmpi eq, %jit3A_863, %eq3A_864 : i32
        %jit3A_866 = arith.constant 1 : i32
        %select_n3A_867 = arith.select %eq3A_865, %jit3A_866, %jit3A_863 : i32
        %rem3A_868 = vector.broadcast %select_n3A_867 : i32 to vector<16xi32>
        %rem3A_869 = arith.remsi %add3A_862, %rem3A_868 : vector<16xi32>
        %ne3A_870 = arith.constant 0 : i32
        %ne3A_871 = vector.broadcast %ne3A_870 : i32 to vector<16xi32>
        %ne3A_872 = arith.cmpi ne, %rem3A_869, %ne3A_871 : vector<16xi32>
        %lt3A_873 = arith.constant 0 : i32
        %lt3A_874 = vector.broadcast %lt3A_873 : i32 to vector<16xi32>
        %lt3A_875 = arith.cmpi slt, %rem3A_869, %lt3A_874 : vector<16xi32>
        %lt3A_876 = arith.constant 0 : i32
        %lt3A_877 = arith.cmpi slt, %select_n3A_867, %lt3A_876 : i32
        %ne3A_878 = vector.broadcast %lt3A_877 : i1 to vector<16xi1>
        %ne3A_879 = vector.broadcast %ne3A_878 : vector<16xi1> to vector<16xi1>
        %ne3A_880 = arith.xori %lt3A_875, %ne3A_879 : vector<16xi1>
        %and3A_881 = arith.andi %ne3A_880, %ne3A_872 : vector<16xi1>
        %add3A_882 = vector.broadcast %select_n3A_867 : i32 to vector<16xi32>
        %add3A_883 = arith.addi %rem3A_869, %add3A_882 : vector<16xi32>
        %select_n3A_884 = arith.select %and3A_881, %add3A_883, %rem3A_869 : vector<16xi1>, vector<16xi32>
        %mul3A_885 = arith.constant 24 : i32
        %mul3A_886 = vector.broadcast %mul3A_885 : i32 to vector<16xi32>
        %mul3A_887 = arith.muli %select_n3A_884, %mul3A_886 : vector<16xi32>
        %get3A_888 = arith.index_cast %add3A_860 : i32 to index
        %get3A_889 = tpu.vector_load %arg6[%get3A_888] {strides = array<i32>} : memref<25600xi32, #tpu.memory_space<vmem>>, vector<16xi32>,
        %get3A_890 = vector.shape_cast %get3A_889 : vector<16xi32> to vector<16xi32>
        %add3A_891 = arith.addi %mul3A_887, %get3A_890 : vector<16xi32>
        %jit3A_892 = arith.constant 4 : i32
        %eq3A_893 = arith.constant 0 : i32
        %eq3A_894 = arith.cmpi eq, %jit3A_892, %eq3A_893 : i32
        %jit3A_895 = arith.constant 1 : i32
        %select_n3A_896 = arith.select %eq3A_894, %jit3A_895, %jit3A_892 : i32
        %rem3A_897 = arith.remsi %add3A_688, %select_n3A_896 : i32
        %ne3A_898 = arith.constant 0 : i32
        %ne3A_899 = arith.cmpi ne, %rem3A_897, %ne3A_898 : i32
        %lt3A_900 = arith.constant 0 : i32
        %lt3A_901 = arith.cmpi slt, %rem3A_897, %lt3A_900 : i32
        %lt3A_902 = arith.constant 0 : i32
        %lt3A_903 = arith.cmpi slt, %select_n3A_896, %lt3A_902 : i32
        %ne3A_904 = arith.xori %lt3A_901, %lt3A_903 : i1
        %and3A_905 = arith.andi %ne3A_904, %ne3A_899 : i1
        %add3A_906 = arith.addi %rem3A_897, %select_n3A_896 : i32
        %select_n3A_907 = arith.select %and3A_905, %add3A_906, %rem3A_897 : i32
        %swap3A_908 = arith.index_cast %select_n3A_907 : i32 to index
        %swap3A_909 = arith.constant 48 : index
        %swap3A_910 = tpu.vector_load %arg7[%swap3A_908, %swap3A_909] {strides = array<i32>} : memref<4x128xi32, #tpu.memory_space<vmem>>, vector<1x16xi32>,
        %swap3A_911 = vector.shape_cast %swap3A_910 : vector<1x16xi32> to vector<16xi32>
        %swap3A_912 = vector.shape_cast %add3A_891 : vector<16xi32> to vector<1x16xi32>
        tpu.vector_store %arg7[%swap3A_908, %swap3A_909], %swap3A_912 {strides = array<i32>} : memref<4x128xi32, #tpu.memory_space<vmem>>, vector<1x16xi32>,
        %mul3A_913 = arith.constant 128 : i32
        %mul3A_914 = arith.muli %add3A_688, %mul3A_913 : i32
        %add3A_915 = arith.constant 64 : i32
        %add3A_916 = arith.addi %mul3A_914, %add3A_915 : i32
        %add3A_917 = vector.broadcast %add3A_916 : i32 to vector<16xi32>
        %add3A_918 = arith.addi %add3A_917, %iota3A : vector<16xi32>
        %jit3A_919 = arith.constant 200 : i32
        %eq3A_920 = arith.constant 0 : i32
        %eq3A_921 = arith.cmpi eq, %jit3A_919, %eq3A_920 : i32
        %jit3A_922 = arith.constant 1 : i32
        %select_n3A_923 = arith.select %eq3A_921, %jit3A_922, %jit3A_919 : i32
        %rem3A_924 = vector.broadcast %select_n3A_923 : i32 to vector<16xi32>
        %rem3A_925 = arith.remsi %add3A_918, %rem3A_924 : vector<16xi32>
        %ne3A_926 = arith.constant 0 : i32
        %ne3A_927 = vector.broadcast %ne3A_926 : i32 to vector<16xi32>
        %ne3A_928 = arith.cmpi ne, %rem3A_925, %ne3A_927 : vector<16xi32>
        %lt3A_929 = arith.constant 0 : i32
        %lt3A_930 = vector.broadcast %lt3A_929 : i32 to vector<16xi32>
        %lt3A_931 = arith.cmpi slt, %rem3A_925, %lt3A_930 : vector<16xi32>
        %lt3A_932 = arith.constant 0 : i32
        %lt3A_933 = arith.cmpi slt, %select_n3A_923, %lt3A_932 : i32
        %ne3A_934 = vector.broadcast %lt3A_933 : i1 to vector<16xi1>
        %ne3A_935 = vector.broadcast %ne3A_934 : vector<16xi1> to vector<16xi1>
        %ne3A_936 = arith.xori %lt3A_931, %ne3A_935 : vector<16xi1>
        %and3A_937 = arith.andi %ne3A_936, %ne3A_928 : vector<16xi1>
        %add3A_938 = vector.broadcast %select_n3A_923 : i32 to vector<16xi32>
        %add3A_939 = arith.addi %rem3A_925, %add3A_938 : vector<16xi32>
        %select_n3A_940 = arith.select %and3A_937, %add3A_939, %rem3A_925 : vector<16xi1>, vector<16xi32>
        %mul3A_941 = arith.constant 24 : i32
        %mul3A_942 = vector.broadcast %mul3A_941 : i32 to vector<16xi32>
        %mul3A_943 = arith.muli %select_n3A_940, %mul3A_942 : vector<16xi32>
        %get3A_944 = arith.index_cast %add3A_916 : i32 to index
        %get3A_945 = tpu.vector_load %arg6[%get3A_944] {strides = array<i32>} : memref<25600xi32, #tpu.memory_space<vmem>>, vector<16xi32>,
        %get3A_946 = vector.shape_cast %get3A_945 : vector<16xi32> to vector<16xi32>
        %add3A_947 = arith.addi %mul3A_943, %get3A_946 : vector<16xi32>
        %jit3A_948 = arith.constant 4 : i32
        %eq3A_949 = arith.constant 0 : i32
        %eq3A_950 = arith.cmpi eq, %jit3A_948, %eq3A_949 : i32
        %jit3A_951 = arith.constant 1 : i32
        %select_n3A_952 = arith.select %eq3A_950, %jit3A_951, %jit3A_948 : i32
        %rem3A_953 = arith.remsi %add3A_688, %select_n3A_952 : i32
        %ne3A_954 = arith.constant 0 : i32
        %ne3A_955 = arith.cmpi ne, %rem3A_953, %ne3A_954 : i32
        %lt3A_956 = arith.constant 0 : i32
        %lt3A_957 = arith.cmpi slt, %rem3A_953, %lt3A_956 : i32
        %lt3A_958 = arith.constant 0 : i32
        %lt3A_959 = arith.cmpi slt, %select_n3A_952, %lt3A_958 : i32
        %ne3A_960 = arith.xori %lt3A_957, %lt3A_959 : i1
        %and3A_961 = arith.andi %ne3A_960, %ne3A_955 : i1
        %add3A_962 = arith.addi %rem3A_953, %select_n3A_952 : i32
        %select_n3A_963 = arith.select %and3A_961, %add3A_962, %rem3A_953 : i32
        %swap3A_964 = arith.index_cast %select_n3A_963 : i32 to index
        %swap3A_965 = arith.constant 64 : index
        %swap3A_966 = tpu.vector_load %arg7[%swap3A_964, %swap3A_965] {strides = array<i32>} : memref<4x128xi32, #tpu.memory_space<vmem>>, vector<1x16xi32>,
        %swap3A_967 = vector.shape_cast %swap3A_966 : vector<1x16xi32> to vector<16xi32>
        %swap3A_968 = vector.shape_cast %add3A_947 : vector<16xi32> to vector<1x16xi32>
        tpu.vector_store %arg7[%swap3A_964, %swap3A_965], %swap3A_968 {strides = array<i32>} : memref<4x128xi32, #tpu.memory_space<vmem>>, vector<1x16xi32>,
        %mul3A_969 = arith.constant 128 : i32
        %mul3A_970 = arith.muli %add3A_688, %mul3A_969 : i32
        %add3A_971 = arith.constant 80 : i32
        %add3A_972 = arith.addi %mul3A_970, %add3A_971 : i32
        %add3A_973 = vector.broadcast %add3A_972 : i32 to vector<16xi32>
        %add3A_974 = arith.addi %add3A_973, %iota3A : vector<16xi32>
        %jit3A_975 = arith.constant 200 : i32
        %eq3A_976 = arith.constant 0 : i32
        %eq3A_977 = arith.cmpi eq, %jit3A_975, %eq3A_976 : i32
        %jit3A_978 = arith.constant 1 : i32
        %select_n3A_979 = arith.select %eq3A_977, %jit3A_978, %jit3A_975 : i32
        %rem3A_980 = vector.broadcast %select_n3A_979 : i32 to vector<16xi32>
        %rem3A_981 = arith.remsi %add3A_974, %rem3A_980 : vector<16xi32>
        %ne3A_982 = arith.constant 0 : i32
        %ne3A_983 = vector.broadcast %ne3A_982 : i32 to vector<16xi32>
        %ne3A_984 = arith.cmpi ne, %rem3A_981, %ne3A_983 : vector<16xi32>
        %lt3A_985 = arith.constant 0 : i32
        %lt3A_986 = vector.broadcast %lt3A_985 : i32 to vector<16xi32>
        %lt3A_987 = arith.cmpi slt, %rem3A_981, %lt3A_986 : vector<16xi32>
        %lt3A_988 = arith.constant 0 : i32
        %lt3A_989 = arith.cmpi slt, %select_n3A_979, %lt3A_988 : i32
        %ne3A_990 = vector.broadcast %lt3A_989 : i1 to vector<16xi1>
        %ne3A_991 = vector.broadcast %ne3A_990 : vector<16xi1> to vector<16xi1>
        %ne3A_992 = arith.xori %lt3A_987, %ne3A_991 : vector<16xi1>
        %and3A_993 = arith.andi %ne3A_992, %ne3A_984 : vector<16xi1>
        %add3A_994 = vector.broadcast %select_n3A_979 : i32 to vector<16xi32>
        %add3A_995 = arith.addi %rem3A_981, %add3A_994 : vector<16xi32>
        %select_n3A_996 = arith.select %and3A_993, %add3A_995, %rem3A_981 : vector<16xi1>, vector<16xi32>
        %mul3A_997 = arith.constant 24 : i32
        %mul3A_998 = vector.broadcast %mul3A_997 : i32 to vector<16xi32>
        %mul3A_999 = arith.muli %select_n3A_996, %mul3A_998 : vector<16xi32>
        %get3A_1000 = arith.index_cast %add3A_972 : i32 to index
        %get3A_1001 = tpu.vector_load %arg6[%get3A_1000] {strides = array<i32>} : memref<25600xi32, #tpu.memory_space<vmem>>, vector<16xi32>,
        %get3A_1002 = vector.shape_cast %get3A_1001 : vector<16xi32> to vector<16xi32>
        %add3A_1003 = arith.addi %mul3A_999, %get3A_1002 : vector<16xi32>
        %jit3A_1004 = arith.constant 4 : i32
        %eq3A_1005 = arith.constant 0 : i32
        %eq3A_1006 = arith.cmpi eq, %jit3A_1004, %eq3A_1005 : i32
        %jit3A_1007 = arith.constant 1 : i32
        %select_n3A_1008 = arith.select %eq3A_1006, %jit3A_1007, %jit3A_1004 : i32
        %rem3A_1009 = arith.remsi %add3A_688, %select_n3A_1008 : i32
        %ne3A_1010 = arith.constant 0 : i32
        %ne3A_1011 = arith.cmpi ne, %rem3A_1009, %ne3A_1010 : i32
        %lt3A_1012 = arith.constant 0 : i32
        %lt3A_1013 = arith.cmpi slt, %rem3A_1009, %lt3A_1012 : i32
        %lt3A_1014 = arith.constant 0 : i32
        %lt3A_1015 = arith.cmpi slt, %select_n3A_1008, %lt3A_1014 : i32
        %ne3A_1016 = arith.xori %lt3A_1013, %lt3A_1015 : i1
        %and3A_1017 = arith.andi %ne3A_1016, %ne3A_1011 : i1
        %add3A_1018 = arith.addi %rem3A_1009, %select_n3A_1008 : i32
        %select_n3A_1019 = arith.select %and3A_1017, %add3A_1018, %rem3A_1009 : i32
        %swap3A_1020 = arith.index_cast %select_n3A_1019 : i32 to index
        %swap3A_1021 = arith.constant 80 : index
        %swap3A_1022 = tpu.vector_load %arg7[%swap3A_1020, %swap3A_1021] {strides = array<i32>} : memref<4x128xi32, #tpu.memory_space<vmem>>, vector<1x16xi32>,
        %swap3A_1023 = vector.shape_cast %swap3A_1022 : vector<1x16xi32> to vector<16xi32>
        %swap3A_1024 = vector.shape_cast %add3A_1003 : vector<16xi32> to vector<1x16xi32>
        tpu.vector_store %arg7[%swap3A_1020, %swap3A_1021], %swap3A_1024 {strides = array<i32>} : memref<4x128xi32, #tpu.memory_space<vmem>>, vector<1x16xi32>,
        %mul3A_1025 = arith.constant 128 : i32
        %mul3A_1026 = arith.muli %add3A_688, %mul3A_1025 : i32
        %add3A_1027 = arith.constant 96 : i32
        %add3A_1028 = arith.addi %mul3A_1026, %add3A_1027 : i32
        %add3A_1029 = vector.broadcast %add3A_1028 : i32 to vector<16xi32>
        %add3A_1030 = arith.addi %add3A_1029, %iota3A : vector<16xi32>
        %jit3A_1031 = arith.constant 200 : i32
        %eq3A_1032 = arith.constant 0 : i32
        %eq3A_1033 = arith.cmpi eq, %jit3A_1031, %eq3A_1032 : i32
        %jit3A_1034 = arith.constant 1 : i32
        %select_n3A_1035 = arith.select %eq3A_1033, %jit3A_1034, %jit3A_1031 : i32
        %rem3A_1036 = vector.broadcast %select_n3A_1035 : i32 to vector<16xi32>
        %rem3A_1037 = arith.remsi %add3A_1030, %rem3A_1036 : vector<16xi32>
        %ne3A_1038 = arith.constant 0 : i32
        %ne3A_1039 = vector.broadcast %ne3A_1038 : i32 to vector<16xi32>
        %ne3A_1040 = arith.cmpi ne, %rem3A_1037, %ne3A_1039 : vector<16xi32>
        %lt3A_1041 = arith.constant 0 : i32
        %lt3A_1042 = vector.broadcast %lt3A_1041 : i32 to vector<16xi32>
        %lt3A_1043 = arith.cmpi slt, %rem3A_1037, %lt3A_1042 : vector<16xi32>
        %lt3A_1044 = arith.constant 0 : i32
        %lt3A_1045 = arith.cmpi slt, %select_n3A_1035, %lt3A_1044 : i32
        %ne3A_1046 = vector.broadcast %lt3A_1045 : i1 to vector<16xi1>
        %ne3A_1047 = vector.broadcast %ne3A_1046 : vector<16xi1> to vector<16xi1>
        %ne3A_1048 = arith.xori %lt3A_1043, %ne3A_1047 : vector<16xi1>
        %and3A_1049 = arith.andi %ne3A_1048, %ne3A_1040 : vector<16xi1>
        %add3A_1050 = vector.broadcast %select_n3A_1035 : i32 to vector<16xi32>
        %add3A_1051 = arith.addi %rem3A_1037, %add3A_1050 : vector<16xi32>
        %select_n3A_1052 = arith.select %and3A_1049, %add3A_1051, %rem3A_1037 : vector<16xi1>, vector<16xi32>
        %mul3A_1053 = arith.constant 24 : i32
        %mul3A_1054 = vector.broadcast %mul3A_1053 : i32 to vector<16xi32>
        %mul3A_1055 = arith.muli %select_n3A_1052, %mul3A_1054 : vector<16xi32>
        %get3A_1056 = arith.index_cast %add3A_1028 : i32 to index
        %get3A_1057 = tpu.vector_load %arg6[%get3A_1056] {strides = array<i32>} : memref<25600xi32, #tpu.memory_space<vmem>>, vector<16xi32>,
        %get3A_1058 = vector.shape_cast %get3A_1057 : vector<16xi32> to vector<16xi32>
        %add3A_1059 = arith.addi %mul3A_1055, %get3A_1058 : vector<16xi32>
        %jit3A_1060 = arith.constant 4 : i32
        %eq3A_1061 = arith.constant 0 : i32
        %eq3A_1062 = arith.cmpi eq, %jit3A_1060, %eq3A_1061 : i32
        %jit3A_1063 = arith.constant 1 : i32
        %select_n3A_1064 = arith.select %eq3A_1062, %jit3A_1063, %jit3A_1060 : i32
        %rem3A_1065 = arith.remsi %add3A_688, %select_n3A_1064 : i32
        %ne3A_1066 = arith.constant 0 : i32
        %ne3A_1067 = arith.cmpi ne, %rem3A_1065, %ne3A_1066 : i32
        %lt3A_1068 = arith.constant 0 : i32
        %lt3A_1069 = arith.cmpi slt, %rem3A_1065, %lt3A_1068 : i32
        %lt3A_1070 = arith.constant 0 : i32
        %lt3A_1071 = arith.cmpi slt, %select_n3A_1064, %lt3A_1070 : i32
        %ne3A_1072 = arith.xori %lt3A_1069, %lt3A_1071 : i1
        %and3A_1073 = arith.andi %ne3A_1072, %ne3A_1067 : i1
        %add3A_1074 = arith.addi %rem3A_1065, %select_n3A_1064 : i32
        %select_n3A_1075 = arith.select %and3A_1073, %add3A_1074, %rem3A_1065 : i32
        %swap3A_1076 = arith.index_cast %select_n3A_1075 : i32 to index
        %swap3A_1077 = arith.constant 96 : index
        %swap3A_1078 = tpu.vector_load %arg7[%swap3A_1076, %swap3A_1077] {strides = array<i32>} : memref<4x128xi32, #tpu.memory_space<vmem>>, vector<1x16xi32>,
        %swap3A_1079 = vector.shape_cast %swap3A_1078 : vector<1x16xi32> to vector<16xi32>
        %swap3A_1080 = vector.shape_cast %add3A_1059 : vector<16xi32> to vector<1x16xi32>
        tpu.vector_store %arg7[%swap3A_1076, %swap3A_1077], %swap3A_1080 {strides = array<i32>} : memref<4x128xi32, #tpu.memory_space<vmem>>, vector<1x16xi32>,
        %mul3A_1081 = arith.constant 128 : i32
        %mul3A_1082 = arith.muli %add3A_688, %mul3A_1081 : i32
        %add3A_1083 = arith.constant 112 : i32
        %add3A_1084 = arith.addi %mul3A_1082, %add3A_1083 : i32
        %add3A_1085 = vector.broadcast %add3A_1084 : i32 to vector<16xi32>
        %add3A_1086 = arith.addi %add3A_1085, %iota3A : vector<16xi32>
        %jit3A_1087 = arith.constant 200 : i32
        %eq3A_1088 = arith.constant 0 : i32
        %eq3A_1089 = arith.cmpi eq, %jit3A_1087, %eq3A_1088 : i32
        %jit3A_1090 = arith.constant 1 : i32
        %select_n3A_1091 = arith.select %eq3A_1089, %jit3A_1090, %jit3A_1087 : i32
        %rem3A_1092 = vector.broadcast %select_n3A_1091 : i32 to vector<16xi32>
        %rem3A_1093 = arith.remsi %add3A_1086, %rem3A_1092 : vector<16xi32>
        %ne3A_1094 = arith.constant 0 : i32
        %ne3A_1095 = vector.broadcast %ne3A_1094 : i32 to vector<16xi32>
        %ne3A_1096 = arith.cmpi ne, %rem3A_1093, %ne3A_1095 : vector<16xi32>
        %lt3A_1097 = arith.constant 0 : i32
        %lt3A_1098 = vector.broadcast %lt3A_1097 : i32 to vector<16xi32>
        %lt3A_1099 = arith.cmpi slt, %rem3A_1093, %lt3A_1098 : vector<16xi32>
        %lt3A_1100 = arith.constant 0 : i32
        %lt3A_1101 = arith.cmpi slt, %select_n3A_1091, %lt3A_1100 : i32
        %ne3A_1102 = vector.broadcast %lt3A_1101 : i1 to vector<16xi1>
        %ne3A_1103 = vector.broadcast %ne3A_1102 : vector<16xi1> to vector<16xi1>
        %ne3A_1104 = arith.xori %lt3A_1099, %ne3A_1103 : vector<16xi1>
        %and3A_1105 = arith.andi %ne3A_1104, %ne3A_1096 : vector<16xi1>
        %add3A_1106 = vector.broadcast %select_n3A_1091 : i32 to vector<16xi32>
        %add3A_1107 = arith.addi %rem3A_1093, %add3A_1106 : vector<16xi32>
        %select_n3A_1108 = arith.select %and3A_1105, %add3A_1107, %rem3A_1093 : vector<16xi1>, vector<16xi32>
        %mul3A_1109 = arith.constant 24 : i32
        %mul3A_1110 = vector.broadcast %mul3A_1109 : i32 to vector<16xi32>
        %mul3A_1111 = arith.muli %select_n3A_1108, %mul3A_1110 : vector<16xi32>
        %get3A_1112 = arith.index_cast %add3A_1084 : i32 to index
        %get3A_1113 = tpu.vector_load %arg6[%get3A_1112] {strides = array<i32>} : memref<25600xi32, #tpu.memory_space<vmem>>, vector<16xi32>,
        %get3A_1114 = vector.shape_cast %get3A_1113 : vector<16xi32> to vector<16xi32>
        %add3A_1115 = arith.addi %mul3A_1111, %get3A_1114 : vector<16xi32>
        %jit3A_1116 = arith.constant 4 : i32
        %eq3A_1117 = arith.constant 0 : i32
        %eq3A_1118 = arith.cmpi eq, %jit3A_1116, %eq3A_1117 : i32
        %jit3A_1119 = arith.constant 1 : i32
        %select_n3A_1120 = arith.select %eq3A_1118, %jit3A_1119, %jit3A_1116 : i32
        %rem3A_1121 = arith.remsi %add3A_688, %select_n3A_1120 : i32
        %ne3A_1122 = arith.constant 0 : i32
        %ne3A_1123 = arith.cmpi ne, %rem3A_1121, %ne3A_1122 : i32
        %lt3A_1124 = arith.constant 0 : i32
        %lt3A_1125 = arith.cmpi slt, %rem3A_1121, %lt3A_1124 : i32
        %lt3A_1126 = arith.constant 0 : i32
        %lt3A_1127 = arith.cmpi slt, %select_n3A_1120, %lt3A_1126 : i32
        %ne3A_1128 = arith.xori %lt3A_1125, %lt3A_1127 : i1
        %and3A_1129 = arith.andi %ne3A_1128, %ne3A_1123 : i1
        %add3A_1130 = arith.addi %rem3A_1121, %select_n3A_1120 : i32
        %select_n3A_1131 = arith.select %and3A_1129, %add3A_1130, %rem3A_1121 : i32
        %swap3A_1132 = arith.index_cast %select_n3A_1131 : i32 to index
        %swap3A_1133 = arith.constant 112 : index
        %swap3A_1134 = tpu.vector_load %arg7[%swap3A_1132, %swap3A_1133] {strides = array<i32>} : memref<4x128xi32, #tpu.memory_space<vmem>>, vector<1x16xi32>,
        %swap3A_1135 = vector.shape_cast %swap3A_1134 : vector<1x16xi32> to vector<16xi32>
        %swap3A_1136 = vector.shape_cast %add3A_1115 : vector<16xi32> to vector<1x16xi32>
        tpu.vector_store %arg7[%swap3A_1132, %swap3A_1133], %swap3A_1136 {strides = array<i32>} : memref<4x128xi32, #tpu.memory_space<vmem>>, vector<1x16xi32>,
      } else {
      }
      %mul3A_659 = arith.constant 128 : i32
      %mul3A_660 = arith.muli %mul3A_621, %mul3A_659 : i32
      %add3A_661 = arith.addi %mul3A_2, %mul3A_660 : i32
      "tpu.region"() ({
        %run_scoped3A = tpu.sem_alloc : memref<!tpu.dma_semaphore, #tpu.memory_space<semaphore_mem>>
        %dma_start3A_687 = arith.constant 0 : i32
        %dma_start3A_688 = tpu.memref_slice %arg4[%add3A_661, %dma_start3A_687] : memref<819200x128xf32, #tpu.memory_space<hbm>> -> memref<128x128xf32, #tpu.memory_space<hbm>>
        %dma_start3A_689 = arith.constant 0 : i32
        %dma_start3A_690 = tpu.memref_slice %arg4[%add3A_661, %dma_start3A_689] : memref<819200x128xf32, #tpu.memory_space<hbm>> -> memref<128x128xf32, #tpu.memory_space<hbm>>
        tpu.enqueue_dma source(%arg8 : memref<128x128xf32, #tpu.memory_space<vmem>>) target(%dma_start3A_690 : memref<128x128xf32, #tpu.memory_space<hbm>>) target_semaphore(%run_scoped3A : memref<!tpu.dma_semaphore, #tpu.memory_space<semaphore_mem>>)
        %dma_wait3A_691 = arith.constant 0 : i32
        %dma_wait3A_692 = tpu.memref_slice %arg4[%add3A_661, %dma_wait3A_691] : memref<819200x128xf32, #tpu.memory_space<hbm>> -> memref<128x128xf32, #tpu.memory_space<hbm>>
        %dma_wait3A_693 = arith.constant 0 : i32
        %dma_wait3A_694 = tpu.memref_slice %arg4[%add3A_661, %dma_wait3A_693] : memref<819200x128xf32, #tpu.memory_space<hbm>> -> memref<128x128xf32, #tpu.memory_space<hbm>>
        tpu.wait_dma2 semaphore(%run_scoped3A : memref<!tpu.dma_semaphore, #tpu.memory_space<semaphore_mem>>) src(%arg8 : memref<128x128xf32, #tpu.memory_space<vmem>>) dst(%dma_wait3A_694 : memref<128x128xf32, #tpu.memory_space<hbm>>)
        tpu.yield
      }) : () -> ()
      %dma_wait3A_662 = arith.constant 0 : i32
      %dma_wait3A_663 = arith.constant 0 : i32
      %dma_wait3A_664 = tpu.memref_slice %arg4[%dma_wait3A_662, %dma_wait3A_663] : memref<819200x128xf32, #tpu.memory_space<hbm>> -> memref<128x128xf32, #tpu.memory_space<hbm>>
      %dma_wait3A_665 = arith.constant 0 : i32
      %dma_wait3A_666 = arith.constant 0 : i32
      %dma_wait3A_667 = tpu.memref_slice %arg4[%dma_wait3A_665, %dma_wait3A_666] : memref<819200x128xf32, #tpu.memory_space<hbm>> -> memref<128x128xf32, #tpu.memory_space<hbm>>
      tpu.wait_dma2 semaphore(%arg11 : memref<!tpu.dma_semaphore, #tpu.memory_space<semaphore_mem>>) src(%dma_wait3A_667 : memref<128x128xf32, #tpu.memory_space<hbm>>) dst(%arg9 : memref<128x128xf32, #tpu.memory_space<vmem>>)
      %add3A_668 = arith.constant 2 : i32
      %add3A_669 = arith.addi %mul3A_621, %add3A_668 : i32
      %lt3A_670 = arith.constant 200 : i32
      %lt3A_671 = arith.cmpi slt, %add3A_669, %lt3A_670 : i32
      %convert_element_type3A_672 = arith.extui %lt3A_671 : i1 to i32
      %cond3A_673 = arith.constant 0 : i32
      %cond3A_674 = arith.cmpi ne, %convert_element_type3A_672, %cond3A_673 : i32
      scf.if %cond3A_674 {
        %add3A_687 = arith.constant 2 : i32
        %add3A_688 = arith.addi %mul3A_621, %add3A_687 : i32
        %jit3A_689 = arith.constant 4 : i32
        %eq3A_690 = arith.constant 0 : i32
        %eq3A_691 = arith.cmpi eq, %jit3A_689, %eq3A_690 : i32
        %jit3A_692 = arith.constant 1 : i32
        %select_n3A_693 = arith.select %eq3A_691, %jit3A_692, %jit3A_689 : i32
        %rem3A_694 = arith.remsi %add3A_688, %select_n3A_693 : i32
        %ne3A_695 = arith.constant 0 : i32
        %ne3A_696 = arith.cmpi ne, %rem3A_694, %ne3A_695 : i32
        %lt3A_697 = arith.constant 0 : i32
        %lt3A_698 = arith.cmpi slt, %rem3A_694, %lt3A_697 : i32
        %lt3A_699 = arith.constant 0 : i32
        %lt3A_700 = arith.cmpi slt, %select_n3A_693, %lt3A_699 : i32
        %ne3A_701 = arith.xori %lt3A_698, %lt3A_700 : i1
        %and3A_702 = arith.andi %ne3A_701, %ne3A_696 : i1
        %add3A_703 = arith.addi %rem3A_694, %select_n3A_693 : i32
        %select_n3A_704 = arith.select %and3A_702, %add3A_703, %rem3A_694 : i32
        %dma_start3A_705 = arith.constant 0 : i32
        %dma_start3A_706 = tpu.memref_slice %arg7[%select_n3A_704, %dma_start3A_705] : memref<4x128xi32, #tpu.memory_space<vmem>> -> memref<1x128xi32, #tpu.memory_space<vmem>>
        %dma_start3A_707 = tpu.memref_squeeze %dma_start3A_706 : memref<1x128xi32, #tpu.memory_space<vmem>> -> memref<128xi32, #tpu.memory_space<vmem>>
        %dma_start3A_708 = arith.constant 0 : i32
        %dma_start3A_709 = arith.constant 0 : i32
        %dma_start3A_710 = tpu.memref_slice %arg5[%dma_start3A_708, %dma_start3A_709] : memref<4800x128xf32, #tpu.memory_space<vmem_shared>> -> memref<4800x128xf32, #tpu.memory_space<vmem_shared>>
        tpu.enqueue_indirect_dma source(%dma_start3A_710 : memref<4800x128xf32, #tpu.memory_space<vmem_shared>>) target(%arg8 : memref<128x128xf32, #tpu.memory_space<vmem>>) offsets(%dma_start3A_707 : memref<128xi32, #tpu.memory_space<vmem>>) semaphore(%arg10 : memref<!tpu.dma_semaphore, #tpu.memory_space<semaphore_mem>>)
      } else {
      }
      %add3A_675 = arith.constant 3 : i32
      %add3A_676 = arith.addi %mul3A_621, %add3A_675 : i32
      %lt3A_677 = arith.constant 200 : i32
      %lt3A_678 = arith.cmpi slt, %add3A_676, %lt3A_677 : i32
      %convert_element_type3A_679 = arith.extui %lt3A_678 : i1 to i32
      %cond3A_680 = arith.constant 0 : i32
      %cond3A_681 = arith.cmpi ne, %convert_element_type3A_679, %cond3A_680 : i32
      scf.if %cond3A_681 {
        %add3A_687 = arith.constant 3 : i32
        %add3A_688 = arith.addi %mul3A_621, %add3A_687 : i32
        %mul3A_689 = arith.constant 128 : i32
        %mul3A_690 = arith.muli %add3A_688, %mul3A_689 : i32
        %add3A_691 = arith.constant 0 : i32
        %add3A_692 = arith.addi %mul3A_690, %add3A_691 : i32
        %add3A_693 = vector.broadcast %add3A_692 : i32 to vector<16xi32>
        %add3A_694 = arith.addi %add3A_693, %iota3A : vector<16xi32>
        %jit3A_695 = arith.constant 200 : i32
        %eq3A_696 = arith.constant 0 : i32
        %eq3A_697 = arith.cmpi eq, %jit3A_695, %eq3A_696 : i32
        %jit3A_698 = arith.constant 1 : i32
        %select_n3A_699 = arith.select %eq3A_697, %jit3A_698, %jit3A_695 : i32
        %rem3A_700 = vector.broadcast %select_n3A_699 : i32 to vector<16xi32>
        %rem3A_701 = arith.remsi %add3A_694, %rem3A_700 : vector<16xi32>
        %ne3A_702 = arith.constant 0 : i32
        %ne3A_703 = vector.broadcast %ne3A_702 : i32 to vector<16xi32>
        %ne3A_704 = arith.cmpi ne, %rem3A_701, %ne3A_703 : vector<16xi32>
        %lt3A_705 = arith.constant 0 : i32
        %lt3A_706 = vector.broadcast %lt3A_705 : i32 to vector<16xi32>
        %lt3A_707 = arith.cmpi slt, %rem3A_701, %lt3A_706 : vector<16xi32>
        %lt3A_708 = arith.constant 0 : i32
        %lt3A_709 = arith.cmpi slt, %select_n3A_699, %lt3A_708 : i32
        %ne3A_710 = vector.broadcast %lt3A_709 : i1 to vector<16xi1>
        %ne3A_711 = vector.broadcast %ne3A_710 : vector<16xi1> to vector<16xi1>
        %ne3A_712 = arith.xori %lt3A_707, %ne3A_711 : vector<16xi1>
        %and3A_713 = arith.andi %ne3A_712, %ne3A_704 : vector<16xi1>
        %add3A_714 = vector.broadcast %select_n3A_699 : i32 to vector<16xi32>
        %add3A_715 = arith.addi %rem3A_701, %add3A_714 : vector<16xi32>
        %select_n3A_716 = arith.select %and3A_713, %add3A_715, %rem3A_701 : vector<16xi1>, vector<16xi32>
        %mul3A_717 = arith.constant 24 : i32
        %mul3A_718 = vector.broadcast %mul3A_717 : i32 to vector<16xi32>
        %mul3A_719 = arith.muli %select_n3A_716, %mul3A_718 : vector<16xi32>
        %get3A_720 = arith.index_cast %add3A_692 : i32 to index
        %get3A_721 = tpu.vector_load %arg6[%get3A_720] {strides = array<i32>} : memref<25600xi32, #tpu.memory_space<vmem>>, vector<16xi32>,
        %get3A_722 = vector.shape_cast %get3A_721 : vector<16xi32> to vector<16xi32>
        %add3A_723 = arith.addi %mul3A_719, %get3A_722 : vector<16xi32>
        %jit3A_724 = arith.constant 4 : i32
        %eq3A_725 = arith.constant 0 : i32
        %eq3A_726 = arith.cmpi eq, %jit3A_724, %eq3A_725 : i32
        %jit3A_727 = arith.constant 1 : i32
        %select_n3A_728 = arith.select %eq3A_726, %jit3A_727, %jit3A_724 : i32
        %rem3A_729 = arith.remsi %add3A_688, %select_n3A_728 : i32
        %ne3A_730 = arith.constant 0 : i32
        %ne3A_731 = arith.cmpi ne, %rem3A_729, %ne3A_730 : i32
        %lt3A_732 = arith.constant 0 : i32
        %lt3A_733 = arith.cmpi slt, %rem3A_729, %lt3A_732 : i32
        %lt3A_734 = arith.constant 0 : i32
        %lt3A_735 = arith.cmpi slt, %select_n3A_728, %lt3A_734 : i32
        %ne3A_736 = arith.xori %lt3A_733, %lt3A_735 : i1
        %and3A_737 = arith.andi %ne3A_736, %ne3A_731 : i1
        %add3A_738 = arith.addi %rem3A_729, %select_n3A_728 : i32
        %select_n3A_739 = arith.select %and3A_737, %add3A_738, %rem3A_729 : i32
        %swap3A_740 = arith.index_cast %select_n3A_739 : i32 to index
        %swap3A_741 = arith.constant 0 : index
        %swap3A_742 = tpu.vector_load %arg7[%swap3A_740, %swap3A_741] {strides = array<i32>} : memref<4x128xi32, #tpu.memory_space<vmem>>, vector<1x16xi32>,
        %swap3A_743 = vector.shape_cast %swap3A_742 : vector<1x16xi32> to vector<16xi32>
        %swap3A_744 = vector.shape_cast %add3A_723 : vector<16xi32> to vector<1x16xi32>
        tpu.vector_store %arg7[%swap3A_740, %swap3A_741], %swap3A_744 {strides = array<i32>} : memref<4x128xi32, #tpu.memory_space<vmem>>, vector<1x16xi32>,
        %mul3A_745 = arith.constant 128 : i32
        %mul3A_746 = arith.muli %add3A_688, %mul3A_745 : i32
        %add3A_747 = arith.constant 16 : i32
        %add3A_748 = arith.addi %mul3A_746, %add3A_747 : i32
        %add3A_749 = vector.broadcast %add3A_748 : i32 to vector<16xi32>
        %add3A_750 = arith.addi %add3A_749, %iota3A : vector<16xi32>
        %jit3A_751 = arith.constant 200 : i32
        %eq3A_752 = arith.constant 0 : i32
        %eq3A_753 = arith.cmpi eq, %jit3A_751, %eq3A_752 : i32
        %jit3A_754 = arith.constant 1 : i32
        %select_n3A_755 = arith.select %eq3A_753, %jit3A_754, %jit3A_751 : i32
        %rem3A_756 = vector.broadcast %select_n3A_755 : i32 to vector<16xi32>
        %rem3A_757 = arith.remsi %add3A_750, %rem3A_756 : vector<16xi32>
        %ne3A_758 = arith.constant 0 : i32
        %ne3A_759 = vector.broadcast %ne3A_758 : i32 to vector<16xi32>
        %ne3A_760 = arith.cmpi ne, %rem3A_757, %ne3A_759 : vector<16xi32>
        %lt3A_761 = arith.constant 0 : i32
        %lt3A_762 = vector.broadcast %lt3A_761 : i32 to vector<16xi32>
        %lt3A_763 = arith.cmpi slt, %rem3A_757, %lt3A_762 : vector<16xi32>
        %lt3A_764 = arith.constant 0 : i32
        %lt3A_765 = arith.cmpi slt, %select_n3A_755, %lt3A_764 : i32
        %ne3A_766 = vector.broadcast %lt3A_765 : i1 to vector<16xi1>
        %ne3A_767 = vector.broadcast %ne3A_766 : vector<16xi1> to vector<16xi1>
        %ne3A_768 = arith.xori %lt3A_763, %ne3A_767 : vector<16xi1>
        %and3A_769 = arith.andi %ne3A_768, %ne3A_760 : vector<16xi1>
        %add3A_770 = vector.broadcast %select_n3A_755 : i32 to vector<16xi32>
        %add3A_771 = arith.addi %rem3A_757, %add3A_770 : vector<16xi32>
        %select_n3A_772 = arith.select %and3A_769, %add3A_771, %rem3A_757 : vector<16xi1>, vector<16xi32>
        %mul3A_773 = arith.constant 24 : i32
        %mul3A_774 = vector.broadcast %mul3A_773 : i32 to vector<16xi32>
        %mul3A_775 = arith.muli %select_n3A_772, %mul3A_774 : vector<16xi32>
        %get3A_776 = arith.index_cast %add3A_748 : i32 to index
        %get3A_777 = tpu.vector_load %arg6[%get3A_776] {strides = array<i32>} : memref<25600xi32, #tpu.memory_space<vmem>>, vector<16xi32>,
        %get3A_778 = vector.shape_cast %get3A_777 : vector<16xi32> to vector<16xi32>
        %add3A_779 = arith.addi %mul3A_775, %get3A_778 : vector<16xi32>
        %jit3A_780 = arith.constant 4 : i32
        %eq3A_781 = arith.constant 0 : i32
        %eq3A_782 = arith.cmpi eq, %jit3A_780, %eq3A_781 : i32
        %jit3A_783 = arith.constant 1 : i32
        %select_n3A_784 = arith.select %eq3A_782, %jit3A_783, %jit3A_780 : i32
        %rem3A_785 = arith.remsi %add3A_688, %select_n3A_784 : i32
        %ne3A_786 = arith.constant 0 : i32
        %ne3A_787 = arith.cmpi ne, %rem3A_785, %ne3A_786 : i32
        %lt3A_788 = arith.constant 0 : i32
        %lt3A_789 = arith.cmpi slt, %rem3A_785, %lt3A_788 : i32
        %lt3A_790 = arith.constant 0 : i32
        %lt3A_791 = arith.cmpi slt, %select_n3A_784, %lt3A_790 : i32
        %ne3A_792 = arith.xori %lt3A_789, %lt3A_791 : i1
        %and3A_793 = arith.andi %ne3A_792, %ne3A_787 : i1
        %add3A_794 = arith.addi %rem3A_785, %select_n3A_784 : i32
        %select_n3A_795 = arith.select %and3A_793, %add3A_794, %rem3A_785 : i32
        %swap3A_796 = arith.index_cast %select_n3A_795 : i32 to index
        %swap3A_797 = arith.constant 16 : index
        %swap3A_798 = tpu.vector_load %arg7[%swap3A_796, %swap3A_797] {strides = array<i32>} : memref<4x128xi32, #tpu.memory_space<vmem>>, vector<1x16xi32>,
        %swap3A_799 = vector.shape_cast %swap3A_798 : vector<1x16xi32> to vector<16xi32>
        %swap3A_800 = vector.shape_cast %add3A_779 : vector<16xi32> to vector<1x16xi32>
        tpu.vector_store %arg7[%swap3A_796, %swap3A_797], %swap3A_800 {strides = array<i32>} : memref<4x128xi32, #tpu.memory_space<vmem>>, vector<1x16xi32>,
        %mul3A_801 = arith.constant 128 : i32
        %mul3A_802 = arith.muli %add3A_688, %mul3A_801 : i32
        %add3A_803 = arith.constant 32 : i32
        %add3A_804 = arith.addi %mul3A_802, %add3A_803 : i32
        %add3A_805 = vector.broadcast %add3A_804 : i32 to vector<16xi32>
        %add3A_806 = arith.addi %add3A_805, %iota3A : vector<16xi32>
        %jit3A_807 = arith.constant 200 : i32
        %eq3A_808 = arith.constant 0 : i32
        %eq3A_809 = arith.cmpi eq, %jit3A_807, %eq3A_808 : i32
        %jit3A_810 = arith.constant 1 : i32
        %select_n3A_811 = arith.select %eq3A_809, %jit3A_810, %jit3A_807 : i32
        %rem3A_812 = vector.broadcast %select_n3A_811 : i32 to vector<16xi32>
        %rem3A_813 = arith.remsi %add3A_806, %rem3A_812 : vector<16xi32>
        %ne3A_814 = arith.constant 0 : i32
        %ne3A_815 = vector.broadcast %ne3A_814 : i32 to vector<16xi32>
        %ne3A_816 = arith.cmpi ne, %rem3A_813, %ne3A_815 : vector<16xi32>
        %lt3A_817 = arith.constant 0 : i32
        %lt3A_818 = vector.broadcast %lt3A_817 : i32 to vector<16xi32>
        %lt3A_819 = arith.cmpi slt, %rem3A_813, %lt3A_818 : vector<16xi32>
        %lt3A_820 = arith.constant 0 : i32
        %lt3A_821 = arith.cmpi slt, %select_n3A_811, %lt3A_820 : i32
        %ne3A_822 = vector.broadcast %lt3A_821 : i1 to vector<16xi1>
        %ne3A_823 = vector.broadcast %ne3A_822 : vector<16xi1> to vector<16xi1>
        %ne3A_824 = arith.xori %lt3A_819, %ne3A_823 : vector<16xi1>
        %and3A_825 = arith.andi %ne3A_824, %ne3A_816 : vector<16xi1>
        %add3A_826 = vector.broadcast %select_n3A_811 : i32 to vector<16xi32>
        %add3A_827 = arith.addi %rem3A_813, %add3A_826 : vector<16xi32>
        %select_n3A_828 = arith.select %and3A_825, %add3A_827, %rem3A_813 : vector<16xi1>, vector<16xi32>
        %mul3A_829 = arith.constant 24 : i32
        %mul3A_830 = vector.broadcast %mul3A_829 : i32 to vector<16xi32>
        %mul3A_831 = arith.muli %select_n3A_828, %mul3A_830 : vector<16xi32>
        %get3A_832 = arith.index_cast %add3A_804 : i32 to index
        %get3A_833 = tpu.vector_load %arg6[%get3A_832] {strides = array<i32>} : memref<25600xi32, #tpu.memory_space<vmem>>, vector<16xi32>,
        %get3A_834 = vector.shape_cast %get3A_833 : vector<16xi32> to vector<16xi32>
        %add3A_835 = arith.addi %mul3A_831, %get3A_834 : vector<16xi32>
        %jit3A_836 = arith.constant 4 : i32
        %eq3A_837 = arith.constant 0 : i32
        %eq3A_838 = arith.cmpi eq, %jit3A_836, %eq3A_837 : i32
        %jit3A_839 = arith.constant 1 : i32
        %select_n3A_840 = arith.select %eq3A_838, %jit3A_839, %jit3A_836 : i32
        %rem3A_841 = arith.remsi %add3A_688, %select_n3A_840 : i32
        %ne3A_842 = arith.constant 0 : i32
        %ne3A_843 = arith.cmpi ne, %rem3A_841, %ne3A_842 : i32
        %lt3A_844 = arith.constant 0 : i32
        %lt3A_845 = arith.cmpi slt, %rem3A_841, %lt3A_844 : i32
        %lt3A_846 = arith.constant 0 : i32
        %lt3A_847 = arith.cmpi slt, %select_n3A_840, %lt3A_846 : i32
        %ne3A_848 = arith.xori %lt3A_845, %lt3A_847 : i1
        %and3A_849 = arith.andi %ne3A_848, %ne3A_843 : i1
        %add3A_850 = arith.addi %rem3A_841, %select_n3A_840 : i32
        %select_n3A_851 = arith.select %and3A_849, %add3A_850, %rem3A_841 : i32
        %swap3A_852 = arith.index_cast %select_n3A_851 : i32 to index
        %swap3A_853 = arith.constant 32 : index
        %swap3A_854 = tpu.vector_load %arg7[%swap3A_852, %swap3A_853] {strides = array<i32>} : memref<4x128xi32, #tpu.memory_space<vmem>>, vector<1x16xi32>,
        %swap3A_855 = vector.shape_cast %swap3A_854 : vector<1x16xi32> to vector<16xi32>
        %swap3A_856 = vector.shape_cast %add3A_835 : vector<16xi32> to vector<1x16xi32>
        tpu.vector_store %arg7[%swap3A_852, %swap3A_853], %swap3A_856 {strides = array<i32>} : memref<4x128xi32, #tpu.memory_space<vmem>>, vector<1x16xi32>,
        %mul3A_857 = arith.constant 128 : i32
        %mul3A_858 = arith.muli %add3A_688, %mul3A_857 : i32
        %add3A_859 = arith.constant 48 : i32
        %add3A_860 = arith.addi %mul3A_858, %add3A_859 : i32
        %add3A_861 = vector.broadcast %add3A_860 : i32 to vector<16xi32>
        %add3A_862 = arith.addi %add3A_861, %iota3A : vector<16xi32>
        %jit3A_863 = arith.constant 200 : i32
        %eq3A_864 = arith.constant 0 : i32
        %eq3A_865 = arith.cmpi eq, %jit3A_863, %eq3A_864 : i32
        %jit3A_866 = arith.constant 1 : i32
        %select_n3A_867 = arith.select %eq3A_865, %jit3A_866, %jit3A_863 : i32
        %rem3A_868 = vector.broadcast %select_n3A_867 : i32 to vector<16xi32>
        %rem3A_869 = arith.remsi %add3A_862, %rem3A_868 : vector<16xi32>
        %ne3A_870 = arith.constant 0 : i32
        %ne3A_871 = vector.broadcast %ne3A_870 : i32 to vector<16xi32>
        %ne3A_872 = arith.cmpi ne, %rem3A_869, %ne3A_871 : vector<16xi32>
        %lt3A_873 = arith.constant 0 : i32
        %lt3A_874 = vector.broadcast %lt3A_873 : i32 to vector<16xi32>
        %lt3A_875 = arith.cmpi slt, %rem3A_869, %lt3A_874 : vector<16xi32>
        %lt3A_876 = arith.constant 0 : i32
        %lt3A_877 = arith.cmpi slt, %select_n3A_867, %lt3A_876 : i32
        %ne3A_878 = vector.broadcast %lt3A_877 : i1 to vector<16xi1>
        %ne3A_879 = vector.broadcast %ne3A_878 : vector<16xi1> to vector<16xi1>
        %ne3A_880 = arith.xori %lt3A_875, %ne3A_879 : vector<16xi1>
        %and3A_881 = arith.andi %ne3A_880, %ne3A_872 : vector<16xi1>
        %add3A_882 = vector.broadcast %select_n3A_867 : i32 to vector<16xi32>
        %add3A_883 = arith.addi %rem3A_869, %add3A_882 : vector<16xi32>
        %select_n3A_884 = arith.select %and3A_881, %add3A_883, %rem3A_869 : vector<16xi1>, vector<16xi32>
        %mul3A_885 = arith.constant 24 : i32
        %mul3A_886 = vector.broadcast %mul3A_885 : i32 to vector<16xi32>
        %mul3A_887 = arith.muli %select_n3A_884, %mul3A_886 : vector<16xi32>
        %get3A_888 = arith.index_cast %add3A_860 : i32 to index
        %get3A_889 = tpu.vector_load %arg6[%get3A_888] {strides = array<i32>} : memref<25600xi32, #tpu.memory_space<vmem>>, vector<16xi32>,
        %get3A_890 = vector.shape_cast %get3A_889 : vector<16xi32> to vector<16xi32>
        %add3A_891 = arith.addi %mul3A_887, %get3A_890 : vector<16xi32>
        %jit3A_892 = arith.constant 4 : i32
        %eq3A_893 = arith.constant 0 : i32
        %eq3A_894 = arith.cmpi eq, %jit3A_892, %eq3A_893 : i32
        %jit3A_895 = arith.constant 1 : i32
        %select_n3A_896 = arith.select %eq3A_894, %jit3A_895, %jit3A_892 : i32
        %rem3A_897 = arith.remsi %add3A_688, %select_n3A_896 : i32
        %ne3A_898 = arith.constant 0 : i32
        %ne3A_899 = arith.cmpi ne, %rem3A_897, %ne3A_898 : i32
        %lt3A_900 = arith.constant 0 : i32
        %lt3A_901 = arith.cmpi slt, %rem3A_897, %lt3A_900 : i32
        %lt3A_902 = arith.constant 0 : i32
        %lt3A_903 = arith.cmpi slt, %select_n3A_896, %lt3A_902 : i32
        %ne3A_904 = arith.xori %lt3A_901, %lt3A_903 : i1
        %and3A_905 = arith.andi %ne3A_904, %ne3A_899 : i1
        %add3A_906 = arith.addi %rem3A_897, %select_n3A_896 : i32
        %select_n3A_907 = arith.select %and3A_905, %add3A_906, %rem3A_897 : i32
        %swap3A_908 = arith.index_cast %select_n3A_907 : i32 to index
        %swap3A_909 = arith.constant 48 : index
        %swap3A_910 = tpu.vector_load %arg7[%swap3A_908, %swap3A_909] {strides = array<i32>} : memref<4x128xi32, #tpu.memory_space<vmem>>, vector<1x16xi32>,
        %swap3A_911 = vector.shape_cast %swap3A_910 : vector<1x16xi32> to vector<16xi32>
        %swap3A_912 = vector.shape_cast %add3A_891 : vector<16xi32> to vector<1x16xi32>
        tpu.vector_store %arg7[%swap3A_908, %swap3A_909], %swap3A_912 {strides = array<i32>} : memref<4x128xi32, #tpu.memory_space<vmem>>, vector<1x16xi32>,
        %mul3A_913 = arith.constant 128 : i32
        %mul3A_914 = arith.muli %add3A_688, %mul3A_913 : i32
        %add3A_915 = arith.constant 64 : i32
        %add3A_916 = arith.addi %mul3A_914, %add3A_915 : i32
        %add3A_917 = vector.broadcast %add3A_916 : i32 to vector<16xi32>
        %add3A_918 = arith.addi %add3A_917, %iota3A : vector<16xi32>
        %jit3A_919 = arith.constant 200 : i32
        %eq3A_920 = arith.constant 0 : i32
        %eq3A_921 = arith.cmpi eq, %jit3A_919, %eq3A_920 : i32
        %jit3A_922 = arith.constant 1 : i32
        %select_n3A_923 = arith.select %eq3A_921, %jit3A_922, %jit3A_919 : i32
        %rem3A_924 = vector.broadcast %select_n3A_923 : i32 to vector<16xi32>
        %rem3A_925 = arith.remsi %add3A_918, %rem3A_924 : vector<16xi32>
        %ne3A_926 = arith.constant 0 : i32
        %ne3A_927 = vector.broadcast %ne3A_926 : i32 to vector<16xi32>
        %ne3A_928 = arith.cmpi ne, %rem3A_925, %ne3A_927 : vector<16xi32>
        %lt3A_929 = arith.constant 0 : i32
        %lt3A_930 = vector.broadcast %lt3A_929 : i32 to vector<16xi32>
        %lt3A_931 = arith.cmpi slt, %rem3A_925, %lt3A_930 : vector<16xi32>
        %lt3A_932 = arith.constant 0 : i32
        %lt3A_933 = arith.cmpi slt, %select_n3A_923, %lt3A_932 : i32
        %ne3A_934 = vector.broadcast %lt3A_933 : i1 to vector<16xi1>
        %ne3A_935 = vector.broadcast %ne3A_934 : vector<16xi1> to vector<16xi1>
        %ne3A_936 = arith.xori %lt3A_931, %ne3A_935 : vector<16xi1>
        %and3A_937 = arith.andi %ne3A_936, %ne3A_928 : vector<16xi1>
        %add3A_938 = vector.broadcast %select_n3A_923 : i32 to vector<16xi32>
        %add3A_939 = arith.addi %rem3A_925, %add3A_938 : vector<16xi32>
        %select_n3A_940 = arith.select %and3A_937, %add3A_939, %rem3A_925 : vector<16xi1>, vector<16xi32>
        %mul3A_941 = arith.constant 24 : i32
        %mul3A_942 = vector.broadcast %mul3A_941 : i32 to vector<16xi32>
        %mul3A_943 = arith.muli %select_n3A_940, %mul3A_942 : vector<16xi32>
        %get3A_944 = arith.index_cast %add3A_916 : i32 to index
        %get3A_945 = tpu.vector_load %arg6[%get3A_944] {strides = array<i32>} : memref<25600xi32, #tpu.memory_space<vmem>>, vector<16xi32>,
        %get3A_946 = vector.shape_cast %get3A_945 : vector<16xi32> to vector<16xi32>
        %add3A_947 = arith.addi %mul3A_943, %get3A_946 : vector<16xi32>
        %jit3A_948 = arith.constant 4 : i32
        %eq3A_949 = arith.constant 0 : i32
        %eq3A_950 = arith.cmpi eq, %jit3A_948, %eq3A_949 : i32
        %jit3A_951 = arith.constant 1 : i32
        %select_n3A_952 = arith.select %eq3A_950, %jit3A_951, %jit3A_948 : i32
        %rem3A_953 = arith.remsi %add3A_688, %select_n3A_952 : i32
        %ne3A_954 = arith.constant 0 : i32
        %ne3A_955 = arith.cmpi ne, %rem3A_953, %ne3A_954 : i32
        %lt3A_956 = arith.constant 0 : i32
        %lt3A_957 = arith.cmpi slt, %rem3A_953, %lt3A_956 : i32
        %lt3A_958 = arith.constant 0 : i32
        %lt3A_959 = arith.cmpi slt, %select_n3A_952, %lt3A_958 : i32
        %ne3A_960 = arith.xori %lt3A_957, %lt3A_959 : i1
        %and3A_961 = arith.andi %ne3A_960, %ne3A_955 : i1
        %add3A_962 = arith.addi %rem3A_953, %select_n3A_952 : i32
        %select_n3A_963 = arith.select %and3A_961, %add3A_962, %rem3A_953 : i32
        %swap3A_964 = arith.index_cast %select_n3A_963 : i32 to index
        %swap3A_965 = arith.constant 64 : index
        %swap3A_966 = tpu.vector_load %arg7[%swap3A_964, %swap3A_965] {strides = array<i32>} : memref<4x128xi32, #tpu.memory_space<vmem>>, vector<1x16xi32>,
        %swap3A_967 = vector.shape_cast %swap3A_966 : vector<1x16xi32> to vector<16xi32>
        %swap3A_968 = vector.shape_cast %add3A_947 : vector<16xi32> to vector<1x16xi32>
        tpu.vector_store %arg7[%swap3A_964, %swap3A_965], %swap3A_968 {strides = array<i32>} : memref<4x128xi32, #tpu.memory_space<vmem>>, vector<1x16xi32>,
        %mul3A_969 = arith.constant 128 : i32
        %mul3A_970 = arith.muli %add3A_688, %mul3A_969 : i32
        %add3A_971 = arith.constant 80 : i32
        %add3A_972 = arith.addi %mul3A_970, %add3A_971 : i32
        %add3A_973 = vector.broadcast %add3A_972 : i32 to vector<16xi32>
        %add3A_974 = arith.addi %add3A_973, %iota3A : vector<16xi32>
        %jit3A_975 = arith.constant 200 : i32
        %eq3A_976 = arith.constant 0 : i32
        %eq3A_977 = arith.cmpi eq, %jit3A_975, %eq3A_976 : i32
        %jit3A_978 = arith.constant 1 : i32
        %select_n3A_979 = arith.select %eq3A_977, %jit3A_978, %jit3A_975 : i32
        %rem3A_980 = vector.broadcast %select_n3A_979 : i32 to vector<16xi32>
        %rem3A_981 = arith.remsi %add3A_974, %rem3A_980 : vector<16xi32>
        %ne3A_982 = arith.constant 0 : i32
        %ne3A_983 = vector.broadcast %ne3A_982 : i32 to vector<16xi32>
        %ne3A_984 = arith.cmpi ne, %rem3A_981, %ne3A_983 : vector<16xi32>
        %lt3A_985 = arith.constant 0 : i32
        %lt3A_986 = vector.broadcast %lt3A_985 : i32 to vector<16xi32>
        %lt3A_987 = arith.cmpi slt, %rem3A_981, %lt3A_986 : vector<16xi32>
        %lt3A_988 = arith.constant 0 : i32
        %lt3A_989 = arith.cmpi slt, %select_n3A_979, %lt3A_988 : i32
        %ne3A_990 = vector.broadcast %lt3A_989 : i1 to vector<16xi1>
        %ne3A_991 = vector.broadcast %ne3A_990 : vector<16xi1> to vector<16xi1>
        %ne3A_992 = arith.xori %lt3A_987, %ne3A_991 : vector<16xi1>
        %and3A_993 = arith.andi %ne3A_992, %ne3A_984 : vector<16xi1>
        %add3A_994 = vector.broadcast %select_n3A_979 : i32 to vector<16xi32>
        %add3A_995 = arith.addi %rem3A_981, %add3A_994 : vector<16xi32>
        %select_n3A_996 = arith.select %and3A_993, %add3A_995, %rem3A_981 : vector<16xi1>, vector<16xi32>
        %mul3A_997 = arith.constant 24 : i32
        %mul3A_998 = vector.broadcast %mul3A_997 : i32 to vector<16xi32>
        %mul3A_999 = arith.muli %select_n3A_996, %mul3A_998 : vector<16xi32>
        %get3A_1000 = arith.index_cast %add3A_972 : i32 to index
        %get3A_1001 = tpu.vector_load %arg6[%get3A_1000] {strides = array<i32>} : memref<25600xi32, #tpu.memory_space<vmem>>, vector<16xi32>,
        %get3A_1002 = vector.shape_cast %get3A_1001 : vector<16xi32> to vector<16xi32>
        %add3A_1003 = arith.addi %mul3A_999, %get3A_1002 : vector<16xi32>
        %jit3A_1004 = arith.constant 4 : i32
        %eq3A_1005 = arith.constant 0 : i32
        %eq3A_1006 = arith.cmpi eq, %jit3A_1004, %eq3A_1005 : i32
        %jit3A_1007 = arith.constant 1 : i32
        %select_n3A_1008 = arith.select %eq3A_1006, %jit3A_1007, %jit3A_1004 : i32
        %rem3A_1009 = arith.remsi %add3A_688, %select_n3A_1008 : i32
        %ne3A_1010 = arith.constant 0 : i32
        %ne3A_1011 = arith.cmpi ne, %rem3A_1009, %ne3A_1010 : i32
        %lt3A_1012 = arith.constant 0 : i32
        %lt3A_1013 = arith.cmpi slt, %rem3A_1009, %lt3A_1012 : i32
        %lt3A_1014 = arith.constant 0 : i32
        %lt3A_1015 = arith.cmpi slt, %select_n3A_1008, %lt3A_1014 : i32
        %ne3A_1016 = arith.xori %lt3A_1013, %lt3A_1015 : i1
        %and3A_1017 = arith.andi %ne3A_1016, %ne3A_1011 : i1
        %add3A_1018 = arith.addi %rem3A_1009, %select_n3A_1008 : i32
        %select_n3A_1019 = arith.select %and3A_1017, %add3A_1018, %rem3A_1009 : i32
        %swap3A_1020 = arith.index_cast %select_n3A_1019 : i32 to index
        %swap3A_1021 = arith.constant 80 : index
        %swap3A_1022 = tpu.vector_load %arg7[%swap3A_1020, %swap3A_1021] {strides = array<i32>} : memref<4x128xi32, #tpu.memory_space<vmem>>, vector<1x16xi32>,
        %swap3A_1023 = vector.shape_cast %swap3A_1022 : vector<1x16xi32> to vector<16xi32>
        %swap3A_1024 = vector.shape_cast %add3A_1003 : vector<16xi32> to vector<1x16xi32>
        tpu.vector_store %arg7[%swap3A_1020, %swap3A_1021], %swap3A_1024 {strides = array<i32>} : memref<4x128xi32, #tpu.memory_space<vmem>>, vector<1x16xi32>,
        %mul3A_1025 = arith.constant 128 : i32
        %mul3A_1026 = arith.muli %add3A_688, %mul3A_1025 : i32
        %add3A_1027 = arith.constant 96 : i32
        %add3A_1028 = arith.addi %mul3A_1026, %add3A_1027 : i32
        %add3A_1029 = vector.broadcast %add3A_1028 : i32 to vector<16xi32>
        %add3A_1030 = arith.addi %add3A_1029, %iota3A : vector<16xi32>
        %jit3A_1031 = arith.constant 200 : i32
        %eq3A_1032 = arith.constant 0 : i32
        %eq3A_1033 = arith.cmpi eq, %jit3A_1031, %eq3A_1032 : i32
        %jit3A_1034 = arith.constant 1 : i32
        %select_n3A_1035 = arith.select %eq3A_1033, %jit3A_1034, %jit3A_1031 : i32
        %rem3A_1036 = vector.broadcast %select_n3A_1035 : i32 to vector<16xi32>
        %rem3A_1037 = arith.remsi %add3A_1030, %rem3A_1036 : vector<16xi32>
        %ne3A_1038 = arith.constant 0 : i32
        %ne3A_1039 = vector.broadcast %ne3A_1038 : i32 to vector<16xi32>
        %ne3A_1040 = arith.cmpi ne, %rem3A_1037, %ne3A_1039 : vector<16xi32>
        %lt3A_1041 = arith.constant 0 : i32
        %lt3A_1042 = vector.broadcast %lt3A_1041 : i32 to vector<16xi32>
        %lt3A_1043 = arith.cmpi slt, %rem3A_1037, %lt3A_1042 : vector<16xi32>
        %lt3A_1044 = arith.constant 0 : i32
        %lt3A_1045 = arith.cmpi slt, %select_n3A_1035, %lt3A_1044 : i32
        %ne3A_1046 = vector.broadcast %lt3A_1045 : i1 to vector<16xi1>
        %ne3A_1047 = vector.broadcast %ne3A_1046 : vector<16xi1> to vector<16xi1>
        %ne3A_1048 = arith.xori %lt3A_1043, %ne3A_1047 : vector<16xi1>
        %and3A_1049 = arith.andi %ne3A_1048, %ne3A_1040 : vector<16xi1>
        %add3A_1050 = vector.broadcast %select_n3A_1035 : i32 to vector<16xi32>
        %add3A_1051 = arith.addi %rem3A_1037, %add3A_1050 : vector<16xi32>
        %select_n3A_1052 = arith.select %and3A_1049, %add3A_1051, %rem3A_1037 : vector<16xi1>, vector<16xi32>
        %mul3A_1053 = arith.constant 24 : i32
        %mul3A_1054 = vector.broadcast %mul3A_1053 : i32 to vector<16xi32>
        %mul3A_1055 = arith.muli %select_n3A_1052, %mul3A_1054 : vector<16xi32>
        %get3A_1056 = arith.index_cast %add3A_1028 : i32 to index
        %get3A_1057 = tpu.vector_load %arg6[%get3A_1056] {strides = array<i32>} : memref<25600xi32, #tpu.memory_space<vmem>>, vector<16xi32>,
        %get3A_1058 = vector.shape_cast %get3A_1057 : vector<16xi32> to vector<16xi32>
        %add3A_1059 = arith.addi %mul3A_1055, %get3A_1058 : vector<16xi32>
        %jit3A_1060 = arith.constant 4 : i32
        %eq3A_1061 = arith.constant 0 : i32
        %eq3A_1062 = arith.cmpi eq, %jit3A_1060, %eq3A_1061 : i32
        %jit3A_1063 = arith.constant 1 : i32
        %select_n3A_1064 = arith.select %eq3A_1062, %jit3A_1063, %jit3A_1060 : i32
        %rem3A_1065 = arith.remsi %add3A_688, %select_n3A_1064 : i32
        %ne3A_1066 = arith.constant 0 : i32
        %ne3A_1067 = arith.cmpi ne, %rem3A_1065, %ne3A_1066 : i32
        %lt3A_1068 = arith.constant 0 : i32
        %lt3A_1069 = arith.cmpi slt, %rem3A_1065, %lt3A_1068 : i32
        %lt3A_1070 = arith.constant 0 : i32
        %lt3A_1071 = arith.cmpi slt, %select_n3A_1064, %lt3A_1070 : i32
        %ne3A_1072 = arith.xori %lt3A_1069, %lt3A_1071 : i1
        %and3A_1073 = arith.andi %ne3A_1072, %ne3A_1067 : i1
        %add3A_1074 = arith.addi %rem3A_1065, %select_n3A_1064 : i32
        %select_n3A_1075 = arith.select %and3A_1073, %add3A_1074, %rem3A_1065 : i32
        %swap3A_1076 = arith.index_cast %select_n3A_1075 : i32 to index
        %swap3A_1077 = arith.constant 96 : index
        %swap3A_1078 = tpu.vector_load %arg7[%swap3A_1076, %swap3A_1077] {strides = array<i32>} : memref<4x128xi32, #tpu.memory_space<vmem>>, vector<1x16xi32>,
        %swap3A_1079 = vector.shape_cast %swap3A_1078 : vector<1x16xi32> to vector<16xi32>
        %swap3A_1080 = vector.shape_cast %add3A_1059 : vector<16xi32> to vector<1x16xi32>
        tpu.vector_store %arg7[%swap3A_1076, %swap3A_1077], %swap3A_1080 {strides = array<i32>} : memref<4x128xi32, #tpu.memory_space<vmem>>, vector<1x16xi32>,
        %mul3A_1081 = arith.constant 128 : i32
        %mul3A_1082 = arith.muli %add3A_688, %mul3A_1081 : i32
        %add3A_1083 = arith.constant 112 : i32
        %add3A_1084 = arith.addi %mul3A_1082, %add3A_1083 : i32
        %add3A_1085 = vector.broadcast %add3A_1084 : i32 to vector<16xi32>
        %add3A_1086 = arith.addi %add3A_1085, %iota3A : vector<16xi32>
        %jit3A_1087 = arith.constant 200 : i32
        %eq3A_1088 = arith.constant 0 : i32
        %eq3A_1089 = arith.cmpi eq, %jit3A_1087, %eq3A_1088 : i32
        %jit3A_1090 = arith.constant 1 : i32
        %select_n3A_1091 = arith.select %eq3A_1089, %jit3A_1090, %jit3A_1087 : i32
        %rem3A_1092 = vector.broadcast %select_n3A_1091 : i32 to vector<16xi32>
        %rem3A_1093 = arith.remsi %add3A_1086, %rem3A_1092 : vector<16xi32>
        %ne3A_1094 = arith.constant 0 : i32
        %ne3A_1095 = vector.broadcast %ne3A_1094 : i32 to vector<16xi32>
        %ne3A_1096 = arith.cmpi ne, %rem3A_1093, %ne3A_1095 : vector<16xi32>
        %lt3A_1097 = arith.constant 0 : i32
        %lt3A_1098 = vector.broadcast %lt3A_1097 : i32 to vector<16xi32>
        %lt3A_1099 = arith.cmpi slt, %rem3A_1093, %lt3A_1098 : vector<16xi32>
        %lt3A_1100 = arith.constant 0 : i32
        %lt3A_1101 = arith.cmpi slt, %select_n3A_1091, %lt3A_1100 : i32
        %ne3A_1102 = vector.broadcast %lt3A_1101 : i1 to vector<16xi1>
        %ne3A_1103 = vector.broadcast %ne3A_1102 : vector<16xi1> to vector<16xi1>
        %ne3A_1104 = arith.xori %lt3A_1099, %ne3A_1103 : vector<16xi1>
        %and3A_1105 = arith.andi %ne3A_1104, %ne3A_1096 : vector<16xi1>
        %add3A_1106 = vector.broadcast %select_n3A_1091 : i32 to vector<16xi32>
        %add3A_1107 = arith.addi %rem3A_1093, %add3A_1106 : vector<16xi32>
        %select_n3A_1108 = arith.select %and3A_1105, %add3A_1107, %rem3A_1093 : vector<16xi1>, vector<16xi32>
        %mul3A_1109 = arith.constant 24 : i32
        %mul3A_1110 = vector.broadcast %mul3A_1109 : i32 to vector<16xi32>
        %mul3A_1111 = arith.muli %select_n3A_1108, %mul3A_1110 : vector<16xi32>
        %get3A_1112 = arith.index_cast %add3A_1084 : i32 to index
        %get3A_1113 = tpu.vector_load %arg6[%get3A_1112] {strides = array<i32>} : memref<25600xi32, #tpu.memory_space<vmem>>, vector<16xi32>,
        %get3A_1114 = vector.shape_cast %get3A_1113 : vector<16xi32> to vector<16xi32>
        %add3A_1115 = arith.addi %mul3A_1111, %get3A_1114 : vector<16xi32>
        %jit3A_1116 = arith.constant 4 : i32
        %eq3A_1117 = arith.constant 0 : i32
        %eq3A_1118 = arith.cmpi eq, %jit3A_1116, %eq3A_1117 : i32
        %jit3A_1119 = arith.constant 1 : i32
        %select_n3A_1120 = arith.select %eq3A_1118, %jit3A_1119, %jit3A_1116 : i32
        %rem3A_1121 = arith.remsi %add3A_688, %select_n3A_1120 : i32
        %ne3A_1122 = arith.constant 0 : i32
        %ne3A_1123 = arith.cmpi ne, %rem3A_1121, %ne3A_1122 : i32
        %lt3A_1124 = arith.constant 0 : i32
        %lt3A_1125 = arith.cmpi slt, %rem3A_1121, %lt3A_1124 : i32
        %lt3A_1126 = arith.constant 0 : i32
        %lt3A_1127 = arith.cmpi slt, %select_n3A_1120, %lt3A_1126 : i32
        %ne3A_1128 = arith.xori %lt3A_1125, %lt3A_1127 : i1
        %and3A_1129 = arith.andi %ne3A_1128, %ne3A_1123 : i1
        %add3A_1130 = arith.addi %rem3A_1121, %select_n3A_1120 : i32
        %select_n3A_1131 = arith.select %and3A_1129, %add3A_1130, %rem3A_1121 : i32
        %swap3A_1132 = arith.index_cast %select_n3A_1131 : i32 to index
        %swap3A_1133 = arith.constant 112 : index
        %swap3A_1134 = tpu.vector_load %arg7[%swap3A_1132, %swap3A_1133] {strides = array<i32>} : memref<4x128xi32, #tpu.memory_space<vmem>>, vector<1x16xi32>,
        %swap3A_1135 = vector.shape_cast %swap3A_1134 : vector<1x16xi32> to vector<16xi32>
        %swap3A_1136 = vector.shape_cast %add3A_1115 : vector<16xi32> to vector<1x16xi32>
        tpu.vector_store %arg7[%swap3A_1132, %swap3A_1133], %swap3A_1136 {strides = array<i32>} : memref<4x128xi32, #tpu.memory_space<vmem>>, vector<1x16xi32>,
      } else {
      }
      %add3A_682 = arith.constant 1 : i32
      %add3A_683 = arith.addi %mul3A_621, %add3A_682 : i32
      %mul3A_684 = arith.constant 128 : i32
      %mul3A_685 = arith.muli %add3A_683, %mul3A_684 : i32
      %add3A_686 = arith.addi %mul3A_2, %mul3A_685 : i32
      "tpu.region"() ({
        %run_scoped3A = tpu.sem_alloc : memref<!tpu.dma_semaphore, #tpu.memory_space<semaphore_mem>>
        %dma_start3A_687 = arith.constant 0 : i32
        %dma_start3A_688 = tpu.memref_slice %arg4[%add3A_686, %dma_start3A_687] : memref<819200x128xf32, #tpu.memory_space<hbm>> -> memref<128x128xf32, #tpu.memory_space<hbm>>
        %dma_start3A_689 = arith.constant 0 : i32
        %dma_start3A_690 = tpu.memref_slice %arg4[%add3A_686, %dma_start3A_689] : memref<819200x128xf32, #tpu.memory_space<hbm>> -> memref<128x128xf32, #tpu.memory_space<hbm>>
        tpu.enqueue_dma source(%arg9 : memref<128x128xf32, #tpu.memory_space<vmem>>) target(%dma_start3A_690 : memref<128x128xf32, #tpu.memory_space<hbm>>) target_semaphore(%run_scoped3A : memref<!tpu.dma_semaphore, #tpu.memory_space<semaphore_mem>>)
        %dma_wait3A_691 = arith.constant 0 : i32
        %dma_wait3A_692 = tpu.memref_slice %arg4[%add3A_686, %dma_wait3A_691] : memref<819200x128xf32, #tpu.memory_space<hbm>> -> memref<128x128xf32, #tpu.memory_space<hbm>>
        %dma_wait3A_693 = arith.constant 0 : i32
        %dma_wait3A_694 = tpu.memref_slice %arg4[%add3A_686, %dma_wait3A_693] : memref<819200x128xf32, #tpu.memory_space<hbm>> -> memref<128x128xf32, #tpu.memory_space<hbm>>
        tpu.wait_dma2 semaphore(%run_scoped3A : memref<!tpu.dma_semaphore, #tpu.memory_space<semaphore_mem>>) src(%arg9 : memref<128x128xf32, #tpu.memory_space<vmem>>) dst(%dma_wait3A_694 : memref<128x128xf32, #tpu.memory_space<hbm>>)
        tpu.yield
      }) : () -> ()
    }
    %scan3A_618 = arith.constant 100 : i32
    return
  }
}

module attributes {stable_mosaic.version = 14 : i64} {
  func.func @_table_body(%arg0: memref<8x128xf32, #tpu.memory_space<vmem>>, %arg1: memref<200x128xf32, #tpu.memory_space<vmem>>, %arg2: memref<3x128xf32, #tpu.memory_space<vmem>>, %arg3: memref<200x24x128xf32, #tpu.memory_space<vmem>>) attributes {dimension_semantics = [], scalar_prefetch = 0 : i64, scratch_operands = 0 : i64, tpu.core_type = #tpu.core_type<tc>} {
    %iota3A = tpu.iota {dimensions = array<i32: 0>} : vector<24x8xi32>
    %jit3A = arith.constant 3 : i32
    %div3A = vector.broadcast %jit3A : i32 to vector<24x8xi32>
    %div3A_0 = arith.divsi %iota3A, %div3A : vector<24x8xi32>
    %sign3A = arith.constant 0 : i32
    %sign3A_1 = vector.broadcast %sign3A : i32 to vector<24x8xi32>
    %sign3A_2 = arith.cmpi sgt, %iota3A, %sign3A_1 : vector<24x8xi32>
    %sign3A_3 = arith.extui %sign3A_2 : vector<24x8xi1> to vector<24x8xi32>
    %sign3A_4 = arith.constant 0 : i32
    %sign3A_5 = vector.broadcast %sign3A_4 : i32 to vector<24x8xi32>
    %sign3A_6 = arith.cmpi slt, %iota3A, %sign3A_5 : vector<24x8xi32>
    %sign3A_7 = arith.extui %sign3A_6 : vector<24x8xi1> to vector<24x8xi32>
    %sign3A_8 = arith.subi %sign3A_3, %sign3A_7 : vector<24x8xi32>
    %sign3A_9 = arith.constant 0 : i32
    %sign3A_10 = arith.cmpi sgt, %jit3A, %sign3A_9 : i32
    %sign3A_11 = arith.extui %sign3A_10 : i1 to i32
    %sign3A_12 = arith.constant 0 : i32
    %sign3A_13 = arith.cmpi slt, %jit3A, %sign3A_12 : i32
    %sign3A_14 = arith.extui %sign3A_13 : i1 to i32
    %sign3A_15 = arith.subi %sign3A_11, %sign3A_14 : i32
    %ne3A = vector.broadcast %sign3A_15 : i32 to vector<24x8xi32>
    %ne3A_16 = arith.cmpi ne, %sign3A_8, %ne3A : vector<24x8xi32>
    %rem3A = vector.broadcast %jit3A : i32 to vector<24x8xi32>
    %rem3A_17 = arith.remsi %iota3A, %rem3A : vector<24x8xi32>
    %ne3A_18 = arith.constant 0 : i32
    %ne3A_19 = vector.broadcast %ne3A_18 : i32 to vector<24x8xi32>
    %ne3A_20 = arith.cmpi ne, %rem3A_17, %ne3A_19 : vector<24x8xi32>
    %and3A = arith.andi %ne3A_16, %ne3A_20 : vector<24x8xi1>
    %sub3A = arith.constant 1 : i32
    %sub3A_21 = vector.broadcast %sub3A : i32 to vector<24x8xi32>
    %sub3A_22 = arith.subi %div3A_0, %sub3A_21 : vector<24x8xi32>
    %select_n3A = arith.select %and3A, %sub3A_22, %div3A_0 : vector<24x8xi1>, vector<24x8xi32>
    %iota3A_23 = tpu.iota {dimensions = array<i32: 1>} : vector<24x8xi32>
    %eq3A = arith.cmpi eq, %select_n3A, %iota3A_23 : vector<24x8xi32>
    %convert_element_type3A = arith.extui %eq3A : vector<24x8xi1> to vector<24x8xi32>
    %convert_element_type3A_24 = arith.sitofp %convert_element_type3A : vector<24x8xi32> to vector<24x8xf32>
    %iota3A_25 = tpu.iota {dimensions = array<i32: 0>} : vector<24x3xi32>
    %jit3A_26 = arith.constant 3 : i32
    %eq3A_27 = arith.constant 0 : i32
    %eq3A_28 = arith.cmpi eq, %jit3A_26, %eq3A_27 : i32
    %jit3A_29 = arith.constant 1 : i32
    %select_n3A_30 = arith.select %eq3A_28, %jit3A_29, %jit3A_26 : i32
    %rem3A_31 = vector.broadcast %select_n3A_30 : i32 to vector<24x3xi32>
    %rem3A_32 = arith.remsi %iota3A_25, %rem3A_31 : vector<24x3xi32>
    %ne3A_33 = arith.constant 0 : i32
    %ne3A_34 = vector.broadcast %ne3A_33 : i32 to vector<24x3xi32>
    %ne3A_35 = arith.cmpi ne, %rem3A_32, %ne3A_34 : vector<24x3xi32>
    %lt3A = arith.constant 0 : i32
    %lt3A_36 = vector.broadcast %lt3A : i32 to vector<24x3xi32>
    %lt3A_37 = arith.cmpi slt, %rem3A_32, %lt3A_36 : vector<24x3xi32>
    %lt3A_38 = arith.constant 0 : i32
    %lt3A_39 = arith.cmpi slt, %select_n3A_30, %lt3A_38 : i32
    %ne3A_40 = vector.broadcast %lt3A_39 : i1 to vector<24x3xi1>
    %ne3A_41 = vector.broadcast %ne3A_40 : vector<24x3xi1> to vector<24x3xi1>
    %ne3A_42 = arith.xori %lt3A_37, %ne3A_41 : vector<24x3xi1>
    %and3A_43 = arith.andi %ne3A_42, %ne3A_35 : vector<24x3xi1>
    %add3A = vector.broadcast %select_n3A_30 : i32 to vector<24x3xi32>
    %add3A_44 = arith.addi %rem3A_32, %add3A : vector<24x3xi32>
    %select_n3A_45 = arith.select %and3A_43, %add3A_44, %rem3A_32 : vector<24x3xi1>, vector<24x3xi32>
    %iota3A_46 = tpu.iota {dimensions = array<i32: 1>} : vector<24x3xi32>
    %eq3A_47 = arith.cmpi eq, %select_n3A_45, %iota3A_46 : vector<24x3xi32>
    %convert_element_type3A_48 = arith.extui %eq3A_47 : vector<24x3xi1> to vector<24x3xi32>
    %convert_element_type3A_49 = arith.sitofp %convert_element_type3A_48 : vector<24x3xi32> to vector<24x3xf32>
    %get3A = arith.constant 0 : index
    %get3A_50 = arith.constant 0 : index
    %get3A_51 = vector.load %arg0[%get3A, %get3A_50] : memref<8x128xf32, #tpu.memory_space<vmem>>, vector<8x128xf32>
    %dot_general3A = arith.constant dense<0.000000e+00> : vector<24x128xf32>
    %dot_general3A_52 = tpu.matmul %convert_element_type3A_24, %get3A_51, %dot_general3A {dimension_numbers = #tpu.dot_dimension_numbers<[1], [0], [0], [1], [0, 0, 1, 1], [], []>, precision = #tpu.contract_precision<fp32>, transpose_lhs_hint = false} : vector<24x8xf32>, vector<8x128xf32>, vector<24x128xf32> -> vector<24x128xf32>
    %get3A_53 = arith.constant 0 : index
    %get3A_54 = arith.constant 0 : index
    %get3A_55 = vector.load %arg2[%get3A_53, %get3A_54] : memref<3x128xf32, #tpu.memory_space<vmem>>, vector<3x128xf32>
    %dot_general3A_56 = arith.constant dense<0.000000e+00> : vector<24x128xf32>
    %dot_general3A_57 = tpu.matmul %convert_element_type3A_49, %get3A_55, %dot_general3A_56 {dimension_numbers = #tpu.dot_dimension_numbers<[1], [0], [0], [1], [0, 0, 1, 1], [], []>, precision = #tpu.contract_precision<fp32>, transpose_lhs_hint = false} : vector<24x3xf32>, vector<3x128xf32>, vector<24x128xf32> -> vector<24x128xf32>
    %add3A_58 = arith.addf %dot_general3A_52, %dot_general3A_57 : vector<24x128xf32>
    %get3A_59 = arith.constant 0 : index
    %get3A_60 = arith.constant 0 : index
    %get3A_61 = vector.load %arg1[%get3A_59, %get3A_60] : memref<200x128xf32, #tpu.memory_space<vmem>>, vector<200x128xf32>
    %broadcast_in_dim3A = vector.shape_cast %get3A_61 : vector<200x128xf32> to vector<200x1x128xf32>
    %broadcast_in_dim3A_62 = vector.shape_cast %add3A_58 : vector<24x128xf32> to vector<1x24x128xf32>
    %add3A_63 = vector.broadcast %broadcast_in_dim3A : vector<200x1x128xf32> to vector<200x24x128xf32>
    %add3A_64 = vector.broadcast %broadcast_in_dim3A_62 : vector<1x24x128xf32> to vector<200x24x128xf32>
    %add3A_65 = arith.addf %add3A_63, %add3A_64 : vector<200x24x128xf32>
    %swap3A = arith.constant 0 : index
    %swap3A_66 = arith.constant 0 : index
    %swap3A_67 = arith.constant 0 : index
    %swap3A_68 = vector.load %arg3[%swap3A, %swap3A_66, %swap3A_67] : memref<200x24x128xf32, #tpu.memory_space<vmem>>, vector<200x24x128xf32>
    tpu.vector_store %arg3[%swap3A, %swap3A_66, %swap3A_67], %add3A_65 {strides = array<i32>} : memref<200x24x128xf32, #tpu.memory_space<vmem>>, vector<200x24x128xf32>,
    return
  }
}

</mosaic_0001>

<sc_bundles>
// kernel: kernel.4.cloned.1.call-start
scs
__scs_entry_jumppad:
0x0: {  	(pc) =	sbr.rel $0x88, $3  }
0x1: {  	(tag) =	ssettag $0x0;
	lr =	simm.s32 $0x1  }
0x2: {  	[smem:$0x3F9C] =	sst lr;
	_ =	strace $0xD0000000  }
0x3: {  	_ = 	snop  }
0x4: {  	_ = 	snop  }
0x5: {  	_ = 	snop  }
0x6: {  	_ = 	snop  }
0x7: {  	_ = 	snop  }
__scs_overlays_trampoline_lowered:
0x8: {  	[smem:$0x3FAB] =	sst s0  }
0x9: {  	[smem:$0x3FAC] =	sst s1  }
0xa: {  	[smem:$0x3FAD] =	sst s2  }
0xb: {  	[smem:$0x3FAE] =	sst s3  }
0xc: {  	[smem:$0x3FAF] =	sst s4  }
0xd: {  	[smem:$0x3FB0] =	sst s5  }
0xe: {  	[smem:$0x3FB1] =	sst s6  }
0xf: {  	[smem:$0x3FB2] =	sst s7  }
0x10: {  	[smem:$0x3FB3] =	sst s8  }
0x11: {  	[smem:$0x3FB4] =	sst s9;
	s0 =	simm.s32 @!p0 $0x0  }
0x12: {  	s1 =	sld [smem:$0x3F9A];
	s0 =	simm.s32 @p0 $0x1  }
0x13: {  	[smem:$0x3FB5] =	sst s0;
	s0 =	simm.s32 @!p1 $0x0  }
0x14: {  	s2 =	sld [smem:$0x3F99];
	s0 =	simm.s32 @p1 $0x1  }
0x15: {  	[smem:$0x3FB6] =	sst s0;
	s0 =	simm.s32 @!p2 $0x0  }
0x16: {  	s3 =	sld [smem:$0x3FDB];
	s0 =	simm.s32 @p2 $0x1  }
0x17: {  	s4 =	simm.s32 $0x1BF5;
	[smem:$0x3FB8] =	sst s0  }
0x18: {  	s0 =	sld [smem:$0x3F9B];
	_ =	swait.ge [sflag:s4], $0x0  }
0x19: {  	s7 =	sld [smem:$0x3F9C]  }
0x1a: {  	s8 =	sadd.s32 $0xFFFFE003, lr  }
0x1b: {  	s9 =	sadd.s32 $0xFFFFFEF7, lr;
	s5 =	simm.s32 $0xFFFFFFFF;
	p2 =	slt.u32 s8, $0xFFFFF086  }
0x1c: {  	p1 =	slt.u32 s9, $0xF7A;
	s5 =	simm.s32 @!p2 $0x0  }
0x1d: {  	s5 =	simm.s32 @p1 $0x1;
	p0 =	seq.s32 s7, s2  }
0x1e: {  	s7 =	smul.u32 @!p0 $0xF7A, s2;
	p2 =	seq.s32 @!p0 s5, $0x0  }
0x1f: {  	s9 =	smul.u32 $0xF7A, s1;
	s8 =	simm.s32 @!p0 $0x1BF5;
	p2 =	por !p2, p0  }
0x20: {  	[sflag:s8] =	ssyncset.s32 @!p0 $0xFFFFF086;
	s6 =	sadd.s32 @!p0 s3, s7;
	s7 =	simm.s32 @!p0 $0x108  }
0x21: {  	s3 =	sadd.s32 s3, s9;
	s6 =	sadd.s32 @!p0 $0x88, s6;
	s7 =	simm.s32 @p2 $0x1082  }
0x22: {  	[simem:s7], [sflag:s8] =	dma.local @!p0 [hbm:s6], $0xF7A  }
0x23: {  	s9 =	sor.u32 $0xD0000000, s2;
	s6 =	simm.s32 $0x108;
	_ =	swait.ge @!p0 [sflag:s8], $0x0  }
0x24: {  	s3 =	sadd.s32 $0x88, s3;
	s6 =	simm.s32 @!p1 $0x1082;
	[sflag:s4] =	ssyncset.s32 $0xFFFFF086  }
0x25: {  	[simem:s6], [sflag:s4] =	dma.local [hbm:s3], $0xF7A  }
0x26: {  	[smem:$0x3F9C] =	sst s1;
	(tag) =	ssettag s2;
	_ =	strace s9  }
0x27: {  	s1 =	sld [smem:$0x3FAC]  }
0x28: {  	s2 =	sld [smem:$0x3FAD]  }
0x29: {  	s4 =	sld [smem:$0x3FAF]  }
0x2a: {  	p0 =	seq.s32 s5, $0x0;
	s5 =	sld [smem:$0x3FB0]  }
0x2b: {  	s6 =	sld [smem:$0x3FB1]  }
0x2c: {  	s7 =	sld [smem:$0x3FB2]  }
0x2d: {  	s3 =	simm.s32 $0x108;
	s8 =	sld [smem:$0x3FB3]  }
0x2e: {  	s3 =	simm.s32 @!p0 $0x1082;
	s9 =	sld [smem:$0x3FB4]  }
0x2f: {  	lr =	sadd.s32 s0, s3;
	s0 =	sld [smem:$0x3FAB]  }
0x30: {  	s3 =	sld [smem:$0x3FAE]  }
0x31: {  	[smem:$0x3FB7] =	sst s10  }
0x32: {  	s10 =	sld [smem:$0x3FB5];
	_ =	sdelay $0x3  }
0x33: {  	p0 =	seq.s32 s10, $0x1;
	s10 =	sld [smem:$0x3FB7];
	_ =	sdelay $0x3  }
0x34: {  	[smem:$0x3FB7] =	sst s10  }
0x35: {  	s10 =	sld [smem:$0x3FB6];
	_ =	sdelay $0x3  }
0x36: {  	p1 =	seq.s32 s10, $0x1;
	s10 =	sld [smem:$0x3FB7];
	_ =	sdelay $0x3  }
0x37: {  	[smem:$0x3FB7] =	sst s10  }
0x38: {  	s10 =	sld [smem:$0x3FB8]  }
0x39: {  	_ = 	snop;
	(pc) =	sbr.ind lr, $3  }
0x3a: {  	_ = 	snop  }
0x3b: {  	_ = 	snop  }
0x3c: {  	p2 =	seq.s32 s10, $0x1;
	s10 =	sld [smem:$0x3FB7]  }
0x3d: {  	_ =	shalt  }
0x3e: {  	_ =	shalt  }
0x3f: {  	_ =	shalt  }
0x40: {  	_ =	shalt  }
0x41: {  	_ =	shalt  }
0x42: {  	_ =	shalt  }
0x43: {  	_ =	shalt  }
0x44: {  	_ =	shalt  }
0x45: {  	_ =	shalt  }
0x46: {  	_ =	shalt  }
0x47: {  	_ =	shalt  }
0x48: {  	_ =	shalt  }
0x49: {  	_ =	shalt  }
0x4a: {  	_ =	shalt  }
0x4b: {  	_ =	shalt  }
0x4c: {  	_ =	shalt  }
0x4d: {  	_ =	shalt  }
0x4e: {  	_ =	shalt  }
0x4f: {  	_ =	shalt  }
0x50: {  	_ =	shalt  }
0x51: {  	_ =	shalt  }
0x52: {  	_ =	shalt  }
0x53: {  	_ =	shalt  }
0x54: {  	_ =	shalt  }
0x55: {  	_ =	shalt  }
0x56: {  	_ =	shalt  }
0x57: {  	_ =	shalt  }
0x58: {  	_ =	shalt  }
0x59: {  	_ =	shalt  }
0x5a: {  	_ =	shalt  }
0x5b: {  	_ =	shalt  }
0x5c: {  	_ =	shalt  }
0x5d: {  	_ =	shalt  }
0x5e: {  	_ =	shalt  }
0x5f: {  	_ =	shalt  }
0x60: {  	_ =	shalt  }
0x61: {  	_ =	shalt  }
0x62: {  	_ =	shalt  }
0x63: {  	_ =	shalt  }
0x64: {  	_ =	shalt  }
0x65: {  	_ =	shalt  }
0x66: {  	_ =	shalt  }
0x67: {  	_ =	shalt  }
0x68: {  	_ =	shalt  }
0x69: {  	_ =	shalt  }
0x6a: {  	_ =	shalt  }
0x6b: {  	_ =	shalt  }
0x6c: {  	_ =	shalt  }
0x6d: {  	_ =	shalt  }
0x6e: {  	_ =	shalt  }
0x6f: {  	_ =	shalt  }
0x70: {  	_ =	shalt  }
0x71: {  	_ =	shalt  }
0x72: {  	_ =	shalt  }
0x73: {  	_ =	shalt  }
0x74: {  	_ =	shalt  }
0x75: {  	_ =	shalt  }
0x76: {  	_ =	shalt  }
0x77: {  	_ =	shalt  }
0x78: {  	_ =	shalt  }
0x79: {  	_ =	shalt  }
0x7a: {  	_ =	shalt  }
0x7b: {  	_ =	shalt  }
0x7c: {  	_ =	shalt  }
0x7d: {  	_ =	shalt  }
0x7e: {  	_ =	shalt  }
0x7f: {  	_ =	shalt  }
0x80: {  	_ =	shalt  }
0x81: {  	_ =	shalt  }
0x82: {  	_ =	shalt  }
0x83: {  	_ =	shalt  }
0x84: {  	_ =	shalt  }
0x85: {  	_ =	shalt  }
0x86: {  	_ =	shalt  }
0x87: {  	_ =	shalt  }
.Lfunc_end0:
.L_simem_size_0:
called_computation_lowered:
.L_overlay_start_0:
0x88: {  	s2 =	sld [smem:$0x3FD9]  }
0x89: {  	s3 =	sld [smem:$0x3FFE];
	_ =	sdelay $0x1  }
0x8a: {  	s1 =	srdreg.scid  }
0x8b: {  	s0 =	sand.u32 $0x1, s1  }
0x8c: {  	s17 =	sshll.u32 s0, $0xA;
	s2 =	sadd.s32 s3, s2  }
0x8d: {  	s2 =	sadd.s32 s2, s17  }
0x8e: {  	[smem:$0x3FC3] =	sst s2  }
0x8f: {  	_ = 	snop  }
0x90: {  	s2 =	sld [smem:$0x3FD0];
	(tm) =	ssettm $0x1  }
0x91: {  	s18 =	sld [smem:$0x3FFB];
	_ =	sdelay $0x3  }
0x92: {  	_ =	strace s18  }
0x93: {  	s3 =	sld [smem:$0x3FFC];
	_ =	sdelay $0x3  }
0x94: {  	_ =	strace s3  }
0x95: {  	s3 =	sld [smem:$0x3FFD];
	_ =	sdelay $0x3  }
0x96: {  	_ =	strace s3  }
0x97: {  	_ =	strace $0x8FFFFFFF  }
0x98: {  	s19 =	sld [smem:$0x3FDB];
	_ =	sdelay $0x1  }
0x99: {  	s4 =	simm.s32 $_scs_section_size  }
0x9a: {  	s5 =	simm.s32 $_size__tile_overlayer_lowered;
	s6 =	simm.s32 $_tile_overlayer_lowered  }
0x9b: {  	s22 =	simm.s32 $0x1BFF;
	s21 =	sshll.u32 s6, $0x1;
	s3 =	sadd.s32 s4, s19  }
0x9c: {  	s7 =	simm.s32 $0x0;
	s20 =	sshll.u32 s5, $0x1;
	s5 =	sadd.s32 s21, s3  }
0x9d: {  	[timem:s7], [sflag:s22] =	dma.local [hbm:s5], s20  }
0x9e: {  	_ =	swait.ge [sflag:s22], s20  }
0x9f: {  	s4 =	ssub.s32 $0x0, s20;
	[sflag:s22] =	ssyncset.done $0x0  }
0xa0: {  	[sflag:s22] =	ssyncadd.s32 s4;
	_ =	sdelay $0x1  }
0xa1: {  	s23 =	simm.s32 $0x1B8B  }
0xa2: {  	_ =	swait.ge [sflag:s23], $0x1  }
0xa3: {  	[sflag:s23] =	ssyncset.done $0x0  }
0xa4: {  	s25 =	simm.s32 $0x1B8E;
	s24 =	sld [smem:$0x3FFE];
	[sflag:s23] =	ssyncadd.s32 $0xFFFFFFFF  }
0xa5: {  	s26 =	simm.s32 $execute0_lowered;
	[smem:$0x3FD2] =	sst s25  }
0xa6: {  	s5 =	sshll.u32 s26, $0x1;
	_ =	strace $0x80000046;
	[dreg:$0x1] =	wrdreg $0xFFFFFFFF  }
0xa7: {  	s28 =	simm.s32 $_size_execute0_lowered;
	s3 =	sadd.s32 s3, s5;
	[dreg:$0x0] =	wrdreg $0x0  }
0xa8: {  	s5 =	sshll.u32 s28, $0x1;
	[dreg:$0x2] =	wrdreg s3  }
0xa9: {  	[dreg:$0x3] =	wrdreg s5  }
0xaa: {  	[dreg:$0x4] =	wrdreg $0xC0  }
0xab: {  	_ =	task [dreg:s7], $0x5FFFF  }
0xac: {  	[dreg:$0x1] =	wrdreg $0xFFFFFFFF  }
0xad: {  	[dreg:$0x0] =	wrdreg $0x60  }
0xae: {  	[dreg:$0x2] =	wrdreg s24  }
0xaf: {  	[dreg:$0x3] =	wrdreg s2  }
0xb0: {  	[dreg:$0x4] =	wrdreg $0x0  }
0xb1: {  	[dreg:$0x5] =	wrdreg $0x9  }
0xb2: {  	_ =	task.clear_ibuf [dreg:s7], $0x6FFFF;
	_ =	strace $0x90000046  }
0xb3: {  	s29 =	simm.s32 $0x9;
	_ =	strace $0x80000048  }
0xb4: {  	_ =	swait.ge [sflag:s29], $0x1  }
0xb5: {  	[sflag:s29] =	ssyncadd.s32 $0xFFFFFFFF  }
0xb6: {  	_ =	strace $0x90000048  }
0xb7: {  	_ =	sfence  }
0xb8: {  	s30 =	sld [smem:$0x0];
	_ =	sdelay $0x2  }
0xb9: {  	s31 =	sshll.u32 s1, $0xD;
	s1 =	sshrl.u32 s1, $0x2  }
0xba: {  	s3 =	sand.u32 $0x4000, s31;
	s1 =	sadd.s32 s1, s30  }
0xbb: {  	s0 =	sor.u32 s3, s0;
	s1 =	sshll.u32 s1, $0x11  }
0xbc: {  	s0 =	sor.u32 s1, s0  }
0xbd: {  	s0 =	sadd.s32 $0x8F2B, s0  }
0xbe: {  	[sflag:s0] =	ssyncadd.remote.s32 $0x1  }
0xbf: {  	_ =	sfence.sel $0xFFFF  }
0xc0: {  	[dreg:$0x0] =	wrdreg $0xFFFFFFFF;
	(pc) =	sbr.abs _section_cstart, $3  }
0xc1: {  	[dreg:$0x1] =	wrdreg $0xFFFFFFFF  }
0xc2: {  	_ =	task.clear_ibuf [dreg:s7], $0x2FFFF;
	_ =	strace $0x9FFFFFFF  }
0xc3: {  	(tm) =	ssettm $0x7FFFFFFF  }
tec
execute0_lowered:
.L_overlay_start_1:
0x0: {  	(tag) =	ssettag $0x1  }
0x1: {  	s4 =	rddreg [dreg:$0x0]  }
0x2: {  	s0 =	srdreg.scid;
	s8 =	rddreg [dreg:$0x1]  }
0x3: {  	s7 =	stileid.u32;
	v0 =	vlaneseq.u32;
	v2 =	vimm.s32 $0xA8907860;
	v3 =	vimm.s32 $0x48301800;
	s1 =	rddreg [dreg:$0x2]  }
0x4: {  	s2 =	simm.s32 $0x0;
	vm0 =	vcmask $0x1F10;
	vm9 =	vcmask $0x704;
	s11 =	simm.s32 $0x80;
	s12 =	simm.s32 $0xFA00;
	v4 =	vunpack.c.0.s8.s32 v2  }
0x5: {  	vm10 =	vcmask $0xB08;
	vm11 =	vcmask $0xF0C;
	s13 =	simm.s32 $0xFC00;
	s14 =	simm.s32 $0x1;
	s15 =	simm.s32 $0x13C00;
	v3 =	vunpack.c.0.s8.s32 v3  }
0x6: {  	vm12 =	vcmask $0x1310;
	vm13 =	vcmask $0x1714;
	s16 =	simm.s32 $0x4;
	s17 =	simm.s32 $0x2;
	s18 =	simm.s32 $0x0;
	v4 =	vand.u32 $0xFF, v4  }
0x7: {  	s3 =	sand.u32 $0x1, s0;
	s28 =	sshll.u32 s7, $0x1;
	v1 =	vmul.u32 $0x18, v0;
	s0 =	rddreg [dreg:$0x3];
	v13 =	vsel vm0, v4, v3;
	v4 =	vimm.s32 $0x1200  }
0x8: {  	vm14 =	vcmask $0x1B18;
	vm15 =	vcmask $0x1F1C;
	[smem:$0x7FF] =	sst s2;
	s6 =	smul.u32 $0x640000, s7;
	p0 =	sne.s32 s7, $0x0;
	v5 =	vsel vm9, $0x1218, v4  }
0x9: {  	s5 =	sor.u32 s3, s28;
	_ =	strace $0x80000047;
	s10 =	smul.u32 $0x320000, s3;
	v2 =	vadd.s32 $0x180, v1;
	v10 =	vadd.s32 $0xD80, v1;
	v6 =	vsel vm10, $0x1230, v5  }
0xa: {  	s9 =	ssub.s32 $0x2, s3;
	s3 =	sadd.s32 $0x19C00, s4;
	s5 =	smul.u32 $0xC80, s5;
	v12 =	vadd.s32 $0x1080, v1;
	v15 =	vadd.s32 $0x240, v1;
	v7 =	vsel vm11, $0x1248, v6  }
.Ltmp0:
0xb: {  	s29 =	sshrl.u32 s9, $0x1;
	v16 =	vadd.s32 $0x3C0, v1;
	v3 =	vadd.s32 $0x300, v1;
	s6 =	sadd.s32 s10, s6;
	v8 =	vsel vm12, $0x1260, v7;
	(pc) =	sbr.rel .LBB2_1-.Ltmp0, $4  }
0xc: {  	s4 =	sadd.s32 s5, s4;
	v4 =	vadd.s32 $0x480, v1;
	s5 =	ssub.s32 s9, s29;
	s30 =	sshrl.u32 s6, $0x3;
	v5 =	vor.u32 $0x600, v1;
	v9 =	vsel vm13, $0x1278, v8  }
0xd: {  	s10 =	sor.u32 $0x4000, s6;
	s9 =	sshrl.u32 @!p0 s1, $0x3;
	s4 =	sadd.s32 $0xC00, s4;
	v6 =	vadd.s32 $0x780, v1;
	v7 =	vadd.s32 $0x900, v1;
	v11 =	vsel vm14, $0x1290, v9  }
0xe: {  	s5 =	smax.u32 s5, $0x1;
	s6 =	sadd.s32 s30, s8;
	s31 =	sshrl.u32 s10, $0x3;
	v8 =	vadd.s32 $0xA80, v1;
	v9 =	vor.u32 $0xC00, v1;
	v14 =	vsel vm15, $0x12A8, v11  }
0xf: {  	s10 =	simm.s32 $0x3;
	s7 =	sadd.s32 s31, s8;
	s8 =	simm.s32 $0x9600;
	v11 =	vadd.s32 $0xF00, v1;
	v13 =	vcombine.low v14, v13;
	v14 =	vadd.s32 $0xC0, v1  }
.LBB2_7:
0x10: {  	s18 =	sadd.s32 $0x1, s18  }
0x11: {  	p1 =	sne.s32 s18, s5  }
.Ltmp1:
0x12: {  	_ = 	snop;
	(pc) =	sbr.rel @!p1 .LBB2_8-.Ltmp1, $1  }
0x13: {  	_ =	sdelay $0x3  }
.LBB2_1:
0x14: {  	[tilespmem:s8], [sflag:$0x3] =	stream.linear.gather [hbm4b:s4+s2], $0x6400, $0x38;
	[tilespmem:$0x17C00] =	vst v63  }
0x15: {  	s19 =	simm.s32 @!p0 $0x1C04  }
0x16: {  	[spmem:s9], [sflag:s19] =	dma.local @!p0 [hbm:s3], $0x12C00  }
0x17: {  	s19 =	simm.s32 @!p0 $0x4  }
0x18: {  	_ =	swait.ge @!p0 [sflag:s19], $0x12C00  }
0x19: {  	[sflag:s19] =	ssyncset.done @!p0 $0x0  }
0x1a: {  	[sflag:s19] =	ssyncadd.s32 @!p0 $0xFFFED400  }
0x1b: {  	_ =	swait.ge [sflag:s10], $0x6400  }
0x1c: {  	[sflag:s10] =	ssyncset.done $0x0  }
0x1d: {  	[sflag:s10] =	ssyncadd.s32 $0xFFFF9C00  }
0x1e: {  	[bflag:$0x0] =	sbarrier.arrive $0xFFFF  }
0x1f: {  	v17 =	vld [tilespmem:$0x9600]  }
0x20: {  	v18 =	vld [tilespmem:$0x9610]  }
0x21: {  	v19 =	vld [tilespmem:$0x9620]  }
0x22: {  	v20 =	vld [tilespmem:$0x9630]  }
0x23: {  	v21 =	vld [tilespmem:$0x9640]  }
0x24: {  	v22 =	vld [tilespmem:$0x9650];
	v17 =	vadd.s32 v1, v17  }
0x25: {  	[tilespmem:$0xFA00] =	vst v17;
	v17 =	vadd.s32 v2, v18;
	v18 =	vld [tilespmem:$0x9660]  }
0x26: {  	[tilespmem:$0xFA10] =	vst v17;
	v17 =	vadd.s32 v3, v19;
	v19 =	vld [tilespmem:$0x9670]  }
0x27: {  	v58 =	vld [tilespmem:$0x9680];
	[tilespmem:$0xFA20] =	vst v17;
	v17 =	vadd.s32 v4, v20  }
0x28: {  	v59 =	vld [tilespmem:$0x9690];
	[tilespmem:$0xFA30] =	vst v17;
	v17 =	vadd.s32 v5, v21  }
0x29: {  	v60 =	vld [tilespmem:$0x96A0];
	[tilespmem:$0xFA40] =	vst v17;
	v17 =	vadd.s32 v6, v22  }
0x2a: {  	[tilespmem:$0xFA50] =	vst v17;
	v17 =	vadd.s32 v7, v18;
	v18 =	vld [tilespmem:$0x96B0]  }
0x2b: {  	[tilespmem:$0xFA60] =	vst v17;
	v17 =	vadd.s32 v8, v19;
	v19 =	vld [tilespmem:$0x96C0]  }
0x2c: {  	v61 =	vld [tilespmem:$0x96D0];
	[tilespmem:$0xFA70] =	vst v17;
	v17 =	vadd.s32 v9, v58  }
0x2d: {  	v62 =	vld [tilespmem:$0x96E0];
	[tilespmem:$0xFA80] =	vst v17;
	v17 =	vadd.s32 v10, v59  }
0x2e: {  	v63 =	vld [tilespmem:$0x96F0];
	[tilespmem:$0xFA90] =	vst v17;
	v17 =	vadd.s32 v11, v60  }
0x2f: {  	[tilespmem:$0xFAA0] =	vst v17;
	v17 =	vadd.s32 v12, v18  }
0x30: {  	[tilespmem:$0xFAB0] =	vst v17;
	v17 =	vadd.s32 v13, v19  }
.Ltmp2:
0x31: {  	[tilespmem:$0xFAC0] =	vst v17;
	v17 =	vadd.s32 v14, v61;
	(pc) =	sbr.rel .LBB2_2-.Ltmp2, $4  }
0x32: {  	[tilespmem:$0xFAD0] =	vst v17;
	v17 =	vadd.s32 v15, v62  }
0x33: {  	s20 =	simm.s32 $0x97F0;
	[tilespmem:$0xFAE0] =	vst v17;
	v17 =	vadd.s32 v16, v63  }
0x34: {  	s21 =	smov.u32 s7;
	s22 =	smov.u32 s6;
	s19 =	simm.s32 $0x1F0;
	[tilespmem:$0xFAF0] =	vst v17  }
0x35: {  	[tilespmem:s13], [sflag:$0x1] =	stream.indirect.gather [spmem:s1], $0x80, s12, s11, $0xb8;
	[tilespmem:$0x17C00] =	vst v63  }
.LBB2_6:
0x36: {  	s19 =	sadd.s32 $0x100, s19  }
0x37: {  	p1 =	sne.s32 s19, $0x65F0  }
.Ltmp3:
0x38: {  	_ = 	snop;
	(pc) =	sbr.rel @!p1 .LBB2_7-.Ltmp3, $4  }
0x39: {  	[hbm4b:s21+s2] =	stream.linear.scatter [tilespmem:s15], [sflag:$0x4], $0x4000, $0x38;
	[tilespmem:$0x17C00] =	vst v63  }
0x3a: {  	_ =	swait.ge [sflag:s16], $0x4000  }
0x3b: {  	s22 =	sadd.s32 $0x1000, s22;
	[sflag:s16] =	ssyncset.done $0x0  }
0x3c: {  	s21 =	sadd.s32 $0x1000, s21;
	s20 =	sadd.s32 $0x100, s20;
	[sflag:s16] =	ssyncadd.s32 $0xFFFFC000  }
.LBB2_2:
0x3d: {  	p1 =	seq.s32 s19, $0x64F0  }
.Ltmp4:
0x3e: {  	_ = 	snop;
	(pc) =	sbr.rel @p1 .LBB2_4-.Ltmp4, $4  }
0x3f: {  	_ =	swait.ge [sflag:s14], $0x4000;
	s23 =	sadd.s32 $0xFFFFFE90, s19  }
0x40: {  	[sflag:s14] =	ssyncset.done $0x0;
	s23 =	sand.u32 $0x180, s23  }
0x41: {  	[sflag:s14] =	ssyncadd.s32 $0xFFFFC000;
	s23 =	sor.u32 $0xFA00, s23  }
0x42: {  	[tilespmem:s15], [sflag:$0x2] =	stream.indirect.gather [spmem:s1], $0x80, s23, s11, $0xb8;
	[tilespmem:$0x17C00] =	vst v63  }
0x43: {  	s23 =	sadd.s32 $0xFFFFFF10, s19  }
0x44: {  	v17 =	vor.u32 s23, v0  }
0x45: {  	v18 =	vmulhi.u32 $0x51EB851F, v17;
	_ =	sdelay $0x1  }
0x46: {  	v18 =	vshrl.u32 v18, $0x6  }
0x47: {  	v19 =	vld [tilespmem:s20+$0xFFFFFF10];
	v18 =	vmul.u32 $0xC8, v18;
	_ =	sdelay $0x1  }
0x48: {  	s24 =	sadd.s32 $0xFFFFFF20, s19;
	v17 =	vsub.s32 v17, v18  }
0x49: {  	v18 =	vor.u32 s24, v0;
	v17 =	vmul.u32 $0x18, v17  }
0x4a: {  	v20 =	vmulhi.u32 $0x51EB851F, v18  }
0x4b: {  	s23 =	sand.u32 $0x100, s23;
	v17 =	vadd.s32 v17, v19  }
0x4c: {  	[tilespmem:s23+$0xFA00] =	vst v17;
	v17 =	vshrl.u32 v20, $0x6  }
0x4d: {  	v17 =	vmul.u32 $0xC8, v17;
	v19 =	vld [tilespmem:s20+$0xFFFFFF20];
	_ =	sdelay $0x1  }
0x4e: {  	s25 =	sadd.s32 $0xFFFFFF30, s19;
	v17 =	vsub.s32 v18, v17  }
0x4f: {  	v18 =	vor.u32 s25, v0;
	v17 =	vmul.u32 $0x18, v17  }
0x50: {  	v58 =	vmulhi.u32 $0x51EB851F, v18  }
0x51: {  	v17 =	vadd.s32 v17, v19  }
0x52: {  	[tilespmem:s23+$0xFA10] =	vst v17;
	v17 =	vshrl.u32 v58, $0x6  }
0x53: {  	v17 =	vmul.u32 $0xC8, v17;
	v19 =	vld [tilespmem:s20+$0xFFFFFF30];
	_ =	sdelay $0x1  }
0x54: {  	s26 =	sadd.s32 $0xFFFFFF40, s19;
	v17 =	vsub.s32 v18, v17  }
0x55: {  	v18 =	vor.u32 s26, v0;
	v17 =	vmul.u32 $0x18, v17  }
0x56: {  	v59 =	vmulhi.u32 $0x51EB851F, v18  }
0x57: {  	v17 =	vadd.s32 v17, v19  }
0x58: {  	[tilespmem:s23+$0xFA20] =	vst v17;
	v17 =	vshrl.u32 v59, $0x6  }
0x59: {  	v17 =	vmul.u32 $0xC8, v17;
	v19 =	vld [tilespmem:s20+$0xFFFFFF40];
	_ =	sdelay $0x1  }
0x5a: {  	s28 =	sadd.s32 $0xFFFFFF50, s19;
	v17 =	vsub.s32 v18, v17  }
0x5b: {  	v18 =	vor.u32 s28, v0;
	v17 =	vmul.u32 $0x18, v17  }
0x5c: {  	v60 =	vmulhi.u32 $0x51EB851F, v18  }
0x5d: {  	v17 =	vadd.s32 v17, v19  }
0x5e: {  	[tilespmem:s23+$0xFA30] =	vst v17;
	v17 =	vshrl.u32 v60, $0x6  }
0x5f: {  	v17 =	vmul.u32 $0xC8, v17;
	v19 =	vld [tilespmem:s20+$0xFFFFFF50];
	_ =	sdelay $0x1  }
0x60: {  	s29 =	sadd.s32 $0xFFFFFF60, s19;
	v17 =	vsub.s32 v18, v17  }
0x61: {  	v18 =	vor.u32 s29, v0;
	v17 =	vmul.u32 $0x18, v17  }
0x62: {  	v61 =	vmulhi.u32 $0x51EB851F, v18  }
0x63: {  	v17 =	vadd.s32 v17, v19  }
0x64: {  	[tilespmem:s23+$0xFA40] =	vst v17;
	v17 =	vshrl.u32 v61, $0x6  }
0x65: {  	v17 =	vmul.u32 $0xC8, v17;
	v19 =	vld [tilespmem:s20+$0xFFFFFF60];
	_ =	sdelay $0x1  }
0x66: {  	s30 =	sadd.s32 $0xFFFFFF70, s19;
	v17 =	vsub.s32 v18, v17  }
0x67: {  	v18 =	vor.u32 s30, v0;
	v17 =	vmul.u32 $0x18, v17  }
0x68: {  	v62 =	vmulhi.u32 $0x51EB851F, v18  }
0x69: {  	v17 =	vadd.s32 v17, v19  }
0x6a: {  	[tilespmem:s23+$0xFA50] =	vst v17;
	v17 =	vshrl.u32 v62, $0x6  }
0x6b: {  	v17 =	vmul.u32 $0xC8, v17;
	v19 =	vld [tilespmem:s20+$0xFFFFFF70];
	_ =	sdelay $0x1  }
0x6c: {  	s31 =	sadd.s32 $0xFFFFFF80, s19;
	v17 =	vsub.s32 v18, v17  }
0x6d: {  	v18 =	vor.u32 s31, v0;
	v17 =	vmul.u32 $0x18, v17  }
0x6e: {  	v63 =	vmulhi.u32 $0x51EB851F, v18  }
0x6f: {  	v17 =	vadd.s32 v17, v19  }
0x70: {  	[tilespmem:s23+$0xFA60] =	vst v17;
	v17 =	vshrl.u32 v63, $0x6  }
0x71: {  	v17 =	vmul.u32 $0xC8, v17;
	v19 =	vld [tilespmem:s20+$0xFFFFFF80];
	_ =	sdelay $0x1  }
0x72: {  	v17 =	vsub.s32 v18, v17  }
0x73: {  	v17 =	vmul.u32 $0x18, v17;
	_ =	sdelay $0x1  }
0x74: {  	v17 =	vadd.s32 v17, v19  }
0x75: {  	[tilespmem:s23+$0xFA70] =	vst v17  }
.LBB2_4:
0x76: {  	[hbm4b:s22+s2] =	stream.linear.scatter [tilespmem:s13], [sflag:$0x4], $0x4000, $0x38;
	[tilespmem:$0x17C00] =	vst v63  }
0x77: {  	_ =	swait.ge [sflag:s16], $0x4000  }
.Ltmp5:
0x78: {  	[sflag:s16] =	ssyncset.done $0x0;
	(pc) =	sbr.rel @p1 .LBB2_6-.Ltmp5, $4  }
0x79: {  	[sflag:s16] =	ssyncadd.s32 $0xFFFFC000  }
0x7a: {  	_ =	swait.ge [sflag:s17], $0x4000  }
0x7b: {  	[sflag:s17] =	ssyncset.done $0x0  }
0x7c: {  	[sflag:s17] =	ssyncadd.s32 $0xFFFFC000  }
0x7d: {  	s23 =	sadd.s32 $0xFFFFFF90, s19  }
0x7e: {  	s24 =	sadd.s32 $0xFFFFFF10, s19;
	v17 =	vor.u32 s23, v0  }
0x7f: {  	s24 =	sand.u32 $0x100, s24;
	v18 =	vmulhi.u32 $0x51EB851F, v17  }
0x80: {  	s24 =	sor.u32 $0xFA00, s24  }
0x81: {  	[tilespmem:s13], [sflag:$0x1] =	stream.indirect.gather [spmem:s1], $0x80, s24, s11, $0xb8;
	v18 =	vshrl.u32 v18, $0x6;
	[tilespmem:$0x17C00] =	vst v63  }
0x82: {  	v19 =	vld [tilespmem:s20+$0xFFFFFF90];
	v18 =	vmul.u32 $0xC8, v18;
	_ =	sdelay $0x1  }
0x83: {  	s25 =	sadd.s32 $0xFFFFFFA0, s19;
	v17 =	vsub.s32 v17, v18  }
0x84: {  	v18 =	vor.u32 s25, v0;
	v17 =	vmul.u32 $0x18, v17  }
0x85: {  	v20 =	vmulhi.u32 $0x51EB851F, v18  }
0x86: {  	s23 =	sand.u32 $0x180, s23;
	v17 =	vadd.s32 v17, v19  }
0x87: {  	[tilespmem:s23+$0xFA00] =	vst v17;
	v17 =	vshrl.u32 v20, $0x6  }
0x88: {  	v17 =	vmul.u32 $0xC8, v17;
	v19 =	vld [tilespmem:s20+$0xFFFFFFA0];
	_ =	sdelay $0x1  }
0x89: {  	s26 =	sadd.s32 $0xFFFFFFB0, s19;
	v17 =	vsub.s32 v18, v17  }
0x8a: {  	v18 =	vor.u32 s26, v0;
	v17 =	vmul.u32 $0x18, v17  }
0x8b: {  	v58 =	vmulhi.u32 $0x51EB851F, v18  }
0x8c: {  	v17 =	vadd.s32 v17, v19  }
0x8d: {  	[tilespmem:s23+$0xFA10] =	vst v17;
	v17 =	vshrl.u32 v58, $0x6  }
0x8e: {  	v17 =	vmul.u32 $0xC8, v17;
	v19 =	vld [tilespmem:s20+$0xFFFFFFB0];
	_ =	sdelay $0x1  }
0x8f: {  	s28 =	sadd.s32 $0xFFFFFFC0, s19;
	v17 =	vsub.s32 v18, v17  }
0x90: {  	v18 =	vor.u32 s28, v0;
	v17 =	vmul.u32 $0x18, v17  }
0x91: {  	v59 =	vmulhi.u32 $0x51EB851F, v18  }
0x92: {  	v17 =	vadd.s32 v17, v19  }
0x93: {  	[tilespmem:s23+$0xFA20] =	vst v17;
	v17 =	vshrl.u32 v59, $0x6  }
0x94: {  	v17 =	vmul.u32 $0xC8, v17;
	v19 =	vld [tilespmem:s20+$0xFFFFFFC0];
	_ =	sdelay $0x1  }
0x95: {  	s29 =	sadd.s32 $0xFFFFFFD0, s19;
	v17 =	vsub.s32 v18, v17  }
0x96: {  	v18 =	vor.u32 s29, v0;
	v17 =	vmul.u32 $0x18, v17  }
0x97: {  	v60 =	vmulhi.u32 $0x51EB851F, v18  }
0x98: {  	v17 =	vadd.s32 v17, v19  }
0x99: {  	[tilespmem:s23+$0xFA30] =	vst v17;
	v17 =	vshrl.u32 v60, $0x6  }
0x9a: {  	v17 =	vmul.u32 $0xC8, v17;
	v19 =	vld [tilespmem:s20+$0xFFFFFFD0];
	_ =	sdelay $0x1  }
0x9b: {  	s30 =	sadd.s32 $0xFFFFFFE0, s19;
	v17 =	vsub.s32 v18, v17  }
0x9c: {  	v18 =	vor.u32 s30, v0;
	v17 =	vmul.u32 $0x18, v17  }
0x9d: {  	v61 =	vmulhi.u32 $0x51EB851F, v18  }
0x9e: {  	v17 =	vadd.s32 v17, v19  }
0x9f: {  	[tilespmem:s23+$0xFA40] =	vst v17;
	v17 =	vshrl.u32 v61, $0x6  }
0xa0: {  	v17 =	vmul.u32 $0xC8, v17;
	v19 =	vld [tilespmem:s20+$0xFFFFFFE0];
	_ =	sdelay $0x1  }
0xa1: {  	s31 =	sadd.s32 $0xFFFFFFF0, s19;
	v17 =	vsub.s32 v18, v17  }
0xa2: {  	v18 =	vor.u32 s31, v0;
	v17 =	vmul.u32 $0x18, v17  }
0xa3: {  	v62 =	vmulhi.u32 $0x51EB851F, v18  }
0xa4: {  	v17 =	vadd.s32 v17, v19  }
0xa5: {  	[tilespmem:s23+$0xFA50] =	vst v17;
	v17 =	vshrl.u32 v62, $0x6  }
0xa6: {  	v17 =	vmul.u32 $0xC8, v17;
	v19 =	vld [tilespmem:s20+$0xFFFFFFF0];
	_ =	sdelay $0x1  }
0xa7: {  	v17 =	vsub.s32 v18, v17  }
0xa8: {  	v18 =	vor.u32 s19, v0;
	v17 =	vmul.u32 $0x18, v17  }
0xa9: {  	v63 =	vmulhi.u32 $0x51EB851F, v18  }
0xaa: {  	v17 =	vadd.s32 v17, v19  }
0xab: {  	[tilespmem:s23+$0xFA60] =	vst v17;
	v17 =	vshrl.u32 v63, $0x6  }
0xac: {  	v17 =	vmul.u32 $0xC8, v17;
	v19 =	vld [tilespmem:s20+$0x0];
	_ =	sdelay $0x1  }
.Ltmp6:
0xad: {  	v17 =	vsub.s32 v18, v17;
	(pc) =	sbr.rel .LBB2_6-.Ltmp6, $3  }
0xae: {  	v17 =	vmul.u32 $0x18, v17;
	_ =	sdelay $0x1  }
0xaf: {  	v17 =	vadd.s32 v17, v19  }
0xb0: {  	[tilespmem:s23+$0xFA70] =	vst v17  }
.LBB2_8:
0xb1: {  	_ =	sfence.sel $0x180000  }
0xb2: {  	[bflag:$0x0] =	sbarrier.arrive $0xFFFF  }
0xb3: {  	_ =	strace $0x90000047  }
0xb4: {  	s0 =	sadd.s32 @!p0 $0x100000, s0;
	[bflag:$0x2] =	sbarrier.arrive $0xFFFF  }
0xb5: {  	[sflag:s0] =	ssyncadd.tile.s32 @!p0 $0x1;
	_ =	shalt  }
.Lfunc_end2:
_tile_overlayer_lowered:
.L_overlay_start_2:
0xb6: {  	(tag) =	ssettag $0x2  }
0xb7: {  	s0 =	rddreg [dreg:$0x0];
	s2 =	stileid.u32  }
0xb8: {  	s1 =	rddreg [dreg:$0x1];
	p0 =	sne.s32 s2, $0x0  }
0xb9: {  	s3 =	rddreg [dreg:$0x2];
	[bflag:$0x3] =	sbarrier.arrive $0xFFFF;
	s2 =	simm.s32 @!p0 $0x1C04  }
0xba: {  	[timem:s3], [sflag:s2] =	dma.local @!p0 [hbm:s0], s1  }
0xbb: {  	s0 =	simm.s32 @!p0 $0x4  }
0xbc: {  	_ =	swait.ge @!p0 [sflag:s0], s1  }
0xbd: {  	s1 =	ssub.s32 @!p0 $0x0, s1;
	[sflag:s0] =	ssyncset.done @!p0 $0x0  }
0xbe: {  	[sflag:s0] =	ssyncadd.s32 @!p0 s1  }
0xbf: {  	[bflag:$0x3] =	sbarrier.arrive $0xFFFF  }
0xc0: {  	_ =	shalt  }

</sc_bundles>
